<compile_context>
chip_gen: v7x
topology: tpu7x:2x2x1
jax: 0.10.2.dev20260603
libtpu: 0.0.44.dev20260713+nightly
codegen_flags: <defaults>
</compile_context>

<pallas_src>
import functools

import jax
import jax.numpy as jnp
from jax import lax
from jax.experimental import pallas as pl
from jax.experimental.pallas import tpu as pltpu
from jax.experimental.pallas import tpu_sc as plsc

NC = 2
NS = 16
NW = NC * NS
L = 16
CHUNK = 128


def _ex_body(bpw, nchunk, nvec, n_exer,
             exer_hbm, ax_hbm,
             a0_hbm, a1_hbm, b_hbm,
             exer_v, i2_v, i3_v, a0_v, a1_v, b_v, sem):
    wid = lax.axis_index("s") * NC + lax.axis_index("c")
    base = wid * bpw

    pltpu.sync_copy(exer_hbm.at[pl.ds(base, bpw)], exer_v)

    def idx_body(j, carry):
        sl = pl.ds(j * L, L)
        e = exer_v[sl]
        i2_v[sl] = e + n_exer
        i3_v[sl] = e + 2 * n_exer
        return carry

    lax.fori_loop(0, nvec, idx_body, 0)

    copies = []
    for c in range(nchunk):
        sl = pl.ds(c * CHUNK, CHUNK)
        copies.append(pltpu.async_copy(ax_hbm.at[exer_v.at[sl]], a0_v.at[sl], sem))
        copies.append(pltpu.async_copy(ax_hbm.at[i2_v.at[sl]], a1_v.at[sl], sem))
        copies.append(pltpu.async_copy(ax_hbm.at[i3_v.at[sl]], b_v.at[sl], sem))
    for cp in copies:
        cp.wait()

    pltpu.sync_copy(a0_v, a0_hbm.at[pl.ds(base, bpw)])
    pltpu.sync_copy(a1_v, a1_hbm.at[pl.ds(base, bpw)])
    pltpu.sync_copy(b_v, b_hbm.at[pl.ds(base, bpw)])


def _th_body(bpw, nchunk, nvec, n_stu,
             stu_hbm, th_hbm, a0_hbm, a1_hbm, b_hbm,
             out_hbm,
             stu_v, i1_v, t0_v, t1_v, a0_v, a1_v, b_v, out_v, sem):
    wid = lax.axis_index("s") * NC + lax.axis_index("c")
    base = wid * bpw

    pltpu.sync_copy(stu_hbm.at[pl.ds(base, bpw)], stu_v)
    pltpu.sync_copy(a0_hbm.at[pl.ds(base, bpw)], a0_v)
    pltpu.sync_copy(a1_hbm.at[pl.ds(base, bpw)], a1_v)
    pltpu.sync_copy(b_hbm.at[pl.ds(base, bpw)], b_v)

    def idx_body(j, carry):
        sl = pl.ds(j * L, L)
        i1_v[sl] = stu_v[sl] + n_stu
        return carry

    lax.fori_loop(0, nvec, idx_body, 0)

    copies = []
    for c in range(nchunk):
        sl = pl.ds(c * CHUNK, CHUNK)
        copies.append(pltpu.async_copy(th_hbm.at[stu_v.at[sl]], t0_v.at[sl], sem))
        copies.append(pltpu.async_copy(th_hbm.at[i1_v.at[sl]], t1_v.at[sl], sem))
    for cp in copies:
        cp.wait()

    def vec_body(j, carry):
        sl = pl.ds(j * L, L)
        t0 = t0_v[sl]
        t1 = t1_v[sl]
        a0 = a0_v[sl]
        a1 = a1_v[sl]
        b = b_v[sl]
        pred = a0 * (t0 - b) + a1 * (t1 - b)
        out_v[sl] = 1.0 / (1.0 + jnp.exp(-pred))
        return carry

    lax.fori_loop(0, nvec, vec_body, 0)

    pltpu.sync_copy(out_v, out_hbm.at[pl.ds(base, bpw)])


def _build_ex(batch, n_exer):
    bpw = batch // NW
    nchunk = bpw // CHUNK
    nvec = bpw // L
    mesh = plsc.VectorSubcoreMesh(core_axis_name="c", subcore_axis_name="s")
    idx = pltpu.VMEM((bpw,), jnp.int32)
    val = pltpu.VMEM((bpw,), jnp.float32)
    o = jax.ShapeDtypeStruct((batch,), jnp.float32)
    return functools.partial(
        pl.kernel,
        out_type=(o, o, o),
        mesh=mesh,
        scratch_types=[idx, idx, idx, val, val, val,
                       pltpu.SemaphoreType.DMA],
    )(functools.partial(_ex_body, bpw, nchunk, nvec, n_exer))


def _build_th(batch, n_stu):
    bpw = batch // NW
    nchunk = bpw // CHUNK
    nvec = bpw // L
    mesh = plsc.VectorSubcoreMesh(core_axis_name="c", subcore_axis_name="s")
    idx = pltpu.VMEM((bpw,), jnp.int32)
    val = pltpu.VMEM((bpw,), jnp.float32)
    return functools.partial(
        pl.kernel,
        out_type=jax.ShapeDtypeStruct((batch,), jnp.float32),
        mesh=mesh,
        scratch_types=[idx, idx, val, val, val, val, val, val,
                       pltpu.SemaphoreType.DMA],
    )(functools.partial(_th_body, bpw, nchunk, nvec, n_stu))


def kernel(stu_id, exer_id, theta_table, alpha_table, beta_table):
    batch = stu_id.shape[0]
    stu = stu_id.astype(jnp.int32)
    exer = exer_id.astype(jnp.int32)
    th_soa = jnp.ravel(theta_table.T)
    ax_soa = jnp.ravel(jnp.concatenate([alpha_table, beta_table], axis=1).T)
    a0g, a1g, bg = _build_ex(batch, alpha_table.shape[0])(exer, ax_soa)
    return _build_th(batch, theta_table.shape[0])(stu, th_soa, a0g, a1g, bg)

# --- scband reference (transcript-rebuilt; emitter-appended) ---
"""Pipeline reference for scband-mirt-18451179503676 (READ-ONLY COPY).

The authoritative reference and input builder live on the scoring server;
editing this copy changes nothing except your own understanding.
"""

import jax, jax.numpy as jnp
import numpy as np

STUDENT_N = 1000000
EXER_N = 100000
NUM_DIM = 2
BATCH = 16384


def _xavier_normal(key, shape):
    fan_in, fan_out = shape[1], shape[0]
    std = float(np.sqrt(2.0 / (fan_in + fan_out)))
    return jax.random.normal(key, shape, dtype=jnp.float32) * std


def setup_inputs(seed: int = 0) -> dict:
    key = jax.random.key(seed)
    k1, k2, k3, k4, k5 = jax.random.split(key, 5)
    stu_id = jax.random.randint(k1, (BATCH,), 0, STUDENT_N, dtype=jnp.int64) if jax.config.jax_enable_x64 else jax.random.randint(k1, (BATCH,), 0, STUDENT_N, dtype=jnp.int32)
    exer_id = jax.random.randint(k2, (BATCH,), 0, EXER_N, dtype=jnp.int64) if jax.config.jax_enable_x64 else jax.random.randint(k2, (BATCH,), 0, EXER_N, dtype=jnp.int32)
    # parameters: alpha init uniform(0.5, 2.5) (overrides xavier per the torch init order),
    # beta and theta xavier_normal
    alpha_table = jax.random.uniform(k3, (EXER_N, NUM_DIM), dtype=jnp.float32, minval=0.5, maxval=2.5)
    beta_table = _xavier_normal(k4, (EXER_N, 1))
    theta_table = _xavier_normal(k5, (STUDENT_N, NUM_DIM))
    return {
        "stu_id": stu_id,
        "exer_id": exer_id,
        "theta_table": theta_table,
        "alpha_table": alpha_table,
        "beta_table": beta_table,
    }


def reference(stu_id, exer_id, theta_table, alpha_table, beta_table):
    theta = jnp.take(theta_table, stu_id, axis=0)   # [B, 2]
    alpha = jnp.take(alpha_table, exer_id, axis=0)  # [B, 2]
    beta = jnp.take(beta_table, exer_id, axis=0)    # [B, 1] broadcasts
    pred = jnp.sum(alpha * (theta - beta), axis=1, keepdims=True)  # [B, 1]
    output = jax.nn.sigmoid(pred)
    output = jnp.squeeze(output, axis=1)  # [B]
    return output

if __name__ == "__main__":
    import jax
    _d = setup_inputs()
    print(jax.jit(kernel)(*tuple(_d.values())))

</pallas_src>

<mosaic_0001>
#map = affine_map<(d0, d1) -> (0)>
module attributes {stable_mosaic.version = 14 : i64} {
  func.func @_th_body(%arg0: i32, %arg1: i32, %arg2: memref<16384xi32, #tpu.memory_space<hbm>>, %arg3: memref<2000000xf32, #tpu.memory_space<hbm>>, %arg4: memref<16384xf32, #tpu.memory_space<hbm>>, %arg5: memref<16384xf32, #tpu.memory_space<hbm>>, %arg6: memref<16384xf32, #tpu.memory_space<hbm>>, %arg7: memref<16384xf32, #tpu.memory_space<hbm>>, %arg8: memref<512xi32, #tpu.memory_space<vmem>>, %arg9: memref<512xi32, #tpu.memory_space<vmem>>, %arg10: memref<512xf32, #tpu.memory_space<vmem>>, %arg11: memref<512xf32, #tpu.memory_space<vmem>>, %arg12: memref<512xf32, #tpu.memory_space<vmem>>, %arg13: memref<512xf32, #tpu.memory_space<vmem>>, %arg14: memref<512xf32, #tpu.memory_space<vmem>>, %arg15: memref<512xf32, #tpu.memory_space<vmem>>, %arg16: memref<!tpu.dma_semaphore, #tpu.memory_space<semaphore_mem>>) attributes {dimension_semantics = [#tpu.dimension_semantics<core_parallel>, #tpu.dimension_semantics<subcore_parallel>], iteration_bounds = array<i64: 2, 16>, scalar_prefetch = 0 : i64, scratch_operands = 9 : i64, tpu.core_type = #tpu.core_type<sc_vector_subcore>, window_params = [{transform_indices = #map}, {transform_indices = #map}, {transform_indices = #map}, {transform_indices = #map}, {transform_indices = #map}, {transform_indices = #map}]} {
    %mul3A = arith.constant 2 : i32
    %mul3A_0 = arith.muli %arg1, %mul3A : i32
    %add3A = arith.addi %mul3A_0, %arg0 : i32
    %mul3A_1 = arith.constant 512 : i32
    %mul3A_2 = arith.muli %add3A, %mul3A_1 : i32
    "tpu.region"() ({
      %run_scoped3A = tpu.sem_alloc : memref<!tpu.dma_semaphore, #tpu.memory_space<semaphore_mem>>
      %dma_start3A_108 = tpu.memref_slice %arg2[%mul3A_2] : memref<16384xi32, #tpu.memory_space<hbm>> -> memref<512xi32, #tpu.memory_space<hbm>>
      %dma_start3A_109 = tpu.memref_slice %arg2[%mul3A_2] : memref<16384xi32, #tpu.memory_space<hbm>> -> memref<512xi32, #tpu.memory_space<hbm>>
      tpu.enqueue_dma source(%dma_start3A_109 : memref<512xi32, #tpu.memory_space<hbm>>) target(%arg8 : memref<512xi32, #tpu.memory_space<vmem>>) target_semaphore(%run_scoped3A : memref<!tpu.dma_semaphore, #tpu.memory_space<semaphore_mem>>)
      %dma_wait3A_110 = tpu.memref_slice %arg2[%mul3A_2] : memref<16384xi32, #tpu.memory_space<hbm>> -> memref<512xi32, #tpu.memory_space<hbm>>
      %dma_wait3A_111 = tpu.memref_slice %arg2[%mul3A_2] : memref<16384xi32, #tpu.memory_space<hbm>> -> memref<512xi32, #tpu.memory_space<hbm>>
      tpu.wait_dma2 semaphore(%run_scoped3A : memref<!tpu.dma_semaphore, #tpu.memory_space<semaphore_mem>>) src(%dma_wait3A_111 : memref<512xi32, #tpu.memory_space<hbm>>) dst(%arg8 : memref<512xi32, #tpu.memory_space<vmem>>)
      tpu.yield
    }) : () -> ()
    "tpu.region"() ({
      %run_scoped3A = tpu.sem_alloc : memref<!tpu.dma_semaphore, #tpu.memory_space<semaphore_mem>>
      %dma_start3A_108 = tpu.memref_slice %arg4[%mul3A_2] : memref<16384xf32, #tpu.memory_space<hbm>> -> memref<512xf32, #tpu.memory_space<hbm>>
      %dma_start3A_109 = tpu.memref_slice %arg4[%mul3A_2] : memref<16384xf32, #tpu.memory_space<hbm>> -> memref<512xf32, #tpu.memory_space<hbm>>
      tpu.enqueue_dma source(%dma_start3A_109 : memref<512xf32, #tpu.memory_space<hbm>>) target(%arg12 : memref<512xf32, #tpu.memory_space<vmem>>) target_semaphore(%run_scoped3A : memref<!tpu.dma_semaphore, #tpu.memory_space<semaphore_mem>>)
      %dma_wait3A_110 = tpu.memref_slice %arg4[%mul3A_2] : memref<16384xf32, #tpu.memory_space<hbm>> -> memref<512xf32, #tpu.memory_space<hbm>>
      %dma_wait3A_111 = tpu.memref_slice %arg4[%mul3A_2] : memref<16384xf32, #tpu.memory_space<hbm>> -> memref<512xf32, #tpu.memory_space<hbm>>
      tpu.wait_dma2 semaphore(%run_scoped3A : memref<!tpu.dma_semaphore, #tpu.memory_space<semaphore_mem>>) src(%dma_wait3A_111 : memref<512xf32, #tpu.memory_space<hbm>>) dst(%arg12 : memref<512xf32, #tpu.memory_space<vmem>>)
      tpu.yield
    }) : () -> ()
    "tpu.region"() ({
      %run_scoped3A = tpu.sem_alloc : memref<!tpu.dma_semaphore, #tpu.memory_space<semaphore_mem>>
      %dma_start3A_108 = tpu.memref_slice %arg5[%mul3A_2] : memref<16384xf32, #tpu.memory_space<hbm>> -> memref<512xf32, #tpu.memory_space<hbm>>
      %dma_start3A_109 = tpu.memref_slice %arg5[%mul3A_2] : memref<16384xf32, #tpu.memory_space<hbm>> -> memref<512xf32, #tpu.memory_space<hbm>>
      tpu.enqueue_dma source(%dma_start3A_109 : memref<512xf32, #tpu.memory_space<hbm>>) target(%arg13 : memref<512xf32, #tpu.memory_space<vmem>>) target_semaphore(%run_scoped3A : memref<!tpu.dma_semaphore, #tpu.memory_space<semaphore_mem>>)
      %dma_wait3A_110 = tpu.memref_slice %arg5[%mul3A_2] : memref<16384xf32, #tpu.memory_space<hbm>> -> memref<512xf32, #tpu.memory_space<hbm>>
      %dma_wait3A_111 = tpu.memref_slice %arg5[%mul3A_2] : memref<16384xf32, #tpu.memory_space<hbm>> -> memref<512xf32, #tpu.memory_space<hbm>>
      tpu.wait_dma2 semaphore(%run_scoped3A : memref<!tpu.dma_semaphore, #tpu.memory_space<semaphore_mem>>) src(%dma_wait3A_111 : memref<512xf32, #tpu.memory_space<hbm>>) dst(%arg13 : memref<512xf32, #tpu.memory_space<vmem>>)
      tpu.yield
    }) : () -> ()
    "tpu.region"() ({
      %run_scoped3A = tpu.sem_alloc : memref<!tpu.dma_semaphore, #tpu.memory_space<semaphore_mem>>
      %dma_start3A_108 = tpu.memref_slice %arg6[%mul3A_2] : memref<16384xf32, #tpu.memory_space<hbm>> -> memref<512xf32, #tpu.memory_space<hbm>>
      %dma_start3A_109 = tpu.memref_slice %arg6[%mul3A_2] : memref<16384xf32, #tpu.memory_space<hbm>> -> memref<512xf32, #tpu.memory_space<hbm>>
      tpu.enqueue_dma source(%dma_start3A_109 : memref<512xf32, #tpu.memory_space<hbm>>) target(%arg14 : memref<512xf32, #tpu.memory_space<vmem>>) target_semaphore(%run_scoped3A : memref<!tpu.dma_semaphore, #tpu.memory_space<semaphore_mem>>)
      %dma_wait3A_110 = tpu.memref_slice %arg6[%mul3A_2] : memref<16384xf32, #tpu.memory_space<hbm>> -> memref<512xf32, #tpu.memory_space<hbm>>
      %dma_wait3A_111 = tpu.memref_slice %arg6[%mul3A_2] : memref<16384xf32, #tpu.memory_space<hbm>> -> memref<512xf32, #tpu.memory_space<hbm>>
      tpu.wait_dma2 semaphore(%run_scoped3A : memref<!tpu.dma_semaphore, #tpu.memory_space<semaphore_mem>>) src(%dma_wait3A_111 : memref<512xf32, #tpu.memory_space<hbm>>) dst(%arg14 : memref<512xf32, #tpu.memory_space<vmem>>)
      tpu.yield
    }) : () -> ()
    %scan3A = arith.constant 0 : i32
    %scan3A_3 = arith.constant 0 : i32
    %scan3A_4 = arith.constant 32 : i32
    %scan3A_5 = arith.addi %scan3A_3, %scan3A_4 : i32
    %scan3A_6 = arith.constant 1 : i32
    scf.for %scan3A_108 = %scan3A_3 to %scan3A_5 step %scan3A_6  : i32 {
      %mul3A_109 = arith.constant 16 : i32
      %mul3A_110 = arith.muli %scan3A_108, %mul3A_109 : i32
      %get3A = arith.index_cast %mul3A_110 : i32 to index
      %get3A_111 = tpu.vector_load %arg8[%get3A] {strides = array<i32>} : memref<512xi32, #tpu.memory_space<vmem>>, vector<16xi32>,
      %get3A_112 = vector.shape_cast %get3A_111 : vector<16xi32> to vector<16xi32>
      %add3A_113 = arith.constant 1000000 : i32
      %add3A_114 = vector.broadcast %add3A_113 : i32 to vector<16xi32>
      %add3A_115 = arith.addi %get3A_112, %add3A_114 : vector<16xi32>
      %swap3A = arith.index_cast %mul3A_110 : i32 to index
      %swap3A_116 = tpu.vector_load %arg9[%swap3A] {strides = array<i32>} : memref<512xi32, #tpu.memory_space<vmem>>, vector<16xi32>,
      %swap3A_117 = vector.shape_cast %swap3A_116 : vector<16xi32> to vector<16xi32>
      %swap3A_118 = vector.shape_cast %add3A_115 : vector<16xi32> to vector<16xi32>
      tpu.vector_store %arg9[%swap3A], %swap3A_118 {strides = array<i32>} : memref<512xi32, #tpu.memory_space<vmem>>, vector<16xi32>,
    }
    %scan3A_7 = arith.constant 32 : i32
    %dma_start3A = arith.constant 0 : i32
    %dma_start3A_8 = tpu.memref_slice %arg10[%dma_start3A] : memref<512xf32, #tpu.memory_space<vmem>> -> memref<128xf32, #tpu.memory_space<vmem>>
    %dma_start3A_9 = arith.constant 0 : i32
    %dma_start3A_10 = tpu.memref_slice %arg8[%dma_start3A_9] : memref<512xi32, #tpu.memory_space<vmem>> -> memref<128xi32, #tpu.memory_space<vmem>>
    %dma_start3A_11 = arith.constant 0 : i32
    %dma_start3A_12 = tpu.memref_slice %arg3[%dma_start3A_11] : memref<2000000xf32, #tpu.memory_space<hbm>> -> memref<2000000xf32, #tpu.memory_space<hbm>>
    tpu.enqueue_indirect_dma source(%dma_start3A_12 : memref<2000000xf32, #tpu.memory_space<hbm>>) target(%dma_start3A_8 : memref<128xf32, #tpu.memory_space<vmem>>) offsets(%dma_start3A_10 : memref<128xi32, #tpu.memory_space<vmem>>) semaphore(%arg16 : memref<!tpu.dma_semaphore, #tpu.memory_space<semaphore_mem>>)
    %dma_start3A_13 = arith.constant 0 : i32
    %dma_start3A_14 = tpu.memref_slice %arg11[%dma_start3A_13] : memref<512xf32, #tpu.memory_space<vmem>> -> memref<128xf32, #tpu.memory_space<vmem>>
    %dma_start3A_15 = arith.constant 0 : i32
    %dma_start3A_16 = tpu.memref_slice %arg9[%dma_start3A_15] : memref<512xi32, #tpu.memory_space<vmem>> -> memref<128xi32, #tpu.memory_space<vmem>>
    %dma_start3A_17 = arith.constant 0 : i32
    %dma_start3A_18 = tpu.memref_slice %arg3[%dma_start3A_17] : memref<2000000xf32, #tpu.memory_space<hbm>> -> memref<2000000xf32, #tpu.memory_space<hbm>>
    tpu.enqueue_indirect_dma source(%dma_start3A_18 : memref<2000000xf32, #tpu.memory_space<hbm>>) target(%dma_start3A_14 : memref<128xf32, #tpu.memory_space<vmem>>) offsets(%dma_start3A_16 : memref<128xi32, #tpu.memory_space<vmem>>) semaphore(%arg16 : memref<!tpu.dma_semaphore, #tpu.memory_space<semaphore_mem>>)
    %dma_start3A_19 = arith.constant 128 : i32
    %dma_start3A_20 = tpu.memref_slice %arg10[%dma_start3A_19] : memref<512xf32, #tpu.memory_space<vmem>> -> memref<128xf32, #tpu.memory_space<vmem>>
    %dma_start3A_21 = arith.constant 128 : i32
    %dma_start3A_22 = tpu.memref_slice %arg8[%dma_start3A_21] : memref<512xi32, #tpu.memory_space<vmem>> -> memref<128xi32, #tpu.memory_space<vmem>>
    %dma_start3A_23 = arith.constant 0 : i32
    %dma_start3A_24 = tpu.memref_slice %arg3[%dma_start3A_23] : memref<2000000xf32, #tpu.memory_space<hbm>> -> memref<2000000xf32, #tpu.memory_space<hbm>>
    tpu.enqueue_indirect_dma source(%dma_start3A_24 : memref<2000000xf32, #tpu.memory_space<hbm>>) target(%dma_start3A_20 : memref<128xf32, #tpu.memory_space<vmem>>) offsets(%dma_start3A_22 : memref<128xi32, #tpu.memory_space<vmem>>) semaphore(%arg16 : memref<!tpu.dma_semaphore, #tpu.memory_space<semaphore_mem>>)
    %dma_start3A_25 = arith.constant 128 : i32
    %dma_start3A_26 = tpu.memref_slice %arg11[%dma_start3A_25] : memref<512xf32, #tpu.memory_space<vmem>> -> memref<128xf32, #tpu.memory_space<vmem>>
    %dma_start3A_27 = arith.constant 128 : i32
    %dma_start3A_28 = tpu.memref_slice %arg9[%dma_start3A_27] : memref<512xi32, #tpu.memory_space<vmem>> -> memref<128xi32, #tpu.memory_space<vmem>>
    %dma_start3A_29 = arith.constant 0 : i32
    %dma_start3A_30 = tpu.memref_slice %arg3[%dma_start3A_29] : memref<2000000xf32, #tpu.memory_space<hbm>> -> memref<2000000xf32, #tpu.memory_space<hbm>>
    tpu.enqueue_indirect_dma source(%dma_start3A_30 : memref<2000000xf32, #tpu.memory_space<hbm>>) target(%dma_start3A_26 : memref<128xf32, #tpu.memory_space<vmem>>) offsets(%dma_start3A_28 : memref<128xi32, #tpu.memory_space<vmem>>) semaphore(%arg16 : memref<!tpu.dma_semaphore, #tpu.memory_space<semaphore_mem>>)
    %dma_start3A_31 = arith.constant 256 : i32
    %dma_start3A_32 = tpu.memref_slice %arg10[%dma_start3A_31] : memref<512xf32, #tpu.memory_space<vmem>> -> memref<128xf32, #tpu.memory_space<vmem>>
    %dma_start3A_33 = arith.constant 256 : i32
    %dma_start3A_34 = tpu.memref_slice %arg8[%dma_start3A_33] : memref<512xi32, #tpu.memory_space<vmem>> -> memref<128xi32, #tpu.memory_space<vmem>>
    %dma_start3A_35 = arith.constant 0 : i32
    %dma_start3A_36 = tpu.memref_slice %arg3[%dma_start3A_35] : memref<2000000xf32, #tpu.memory_space<hbm>> -> memref<2000000xf32, #tpu.memory_space<hbm>>
    tpu.enqueue_indirect_dma source(%dma_start3A_36 : memref<2000000xf32, #tpu.memory_space<hbm>>) target(%dma_start3A_32 : memref<128xf32, #tpu.memory_space<vmem>>) offsets(%dma_start3A_34 : memref<128xi32, #tpu.memory_space<vmem>>) semaphore(%arg16 : memref<!tpu.dma_semaphore, #tpu.memory_space<semaphore_mem>>)
    %dma_start3A_37 = arith.constant 256 : i32
    %dma_start3A_38 = tpu.memref_slice %arg11[%dma_start3A_37] : memref<512xf32, #tpu.memory_space<vmem>> -> memref<128xf32, #tpu.memory_space<vmem>>
    %dma_start3A_39 = arith.constant 256 : i32
    %dma_start3A_40 = tpu.memref_slice %arg9[%dma_start3A_39] : memref<512xi32, #tpu.memory_space<vmem>> -> memref<128xi32, #tpu.memory_space<vmem>>
    %dma_start3A_41 = arith.constant 0 : i32
    %dma_start3A_42 = tpu.memref_slice %arg3[%dma_start3A_41] : memref<2000000xf32, #tpu.memory_space<hbm>> -> memref<2000000xf32, #tpu.memory_space<hbm>>
    tpu.enqueue_indirect_dma source(%dma_start3A_42 : memref<2000000xf32, #tpu.memory_space<hbm>>) target(%dma_start3A_38 : memref<128xf32, #tpu.memory_space<vmem>>) offsets(%dma_start3A_40 : memref<128xi32, #tpu.memory_space<vmem>>) semaphore(%arg16 : memref<!tpu.dma_semaphore, #tpu.memory_space<semaphore_mem>>)
    %dma_start3A_43 = arith.constant 384 : i32
    %dma_start3A_44 = tpu.memref_slice %arg10[%dma_start3A_43] : memref<512xf32, #tpu.memory_space<vmem>> -> memref<128xf32, #tpu.memory_space<vmem>>
    %dma_start3A_45 = arith.constant 384 : i32
    %dma_start3A_46 = tpu.memref_slice %arg8[%dma_start3A_45] : memref<512xi32, #tpu.memory_space<vmem>> -> memref<128xi32, #tpu.memory_space<vmem>>
    %dma_start3A_47 = arith.constant 0 : i32
    %dma_start3A_48 = tpu.memref_slice %arg3[%dma_start3A_47] : memref<2000000xf32, #tpu.memory_space<hbm>> -> memref<2000000xf32, #tpu.memory_space<hbm>>
    tpu.enqueue_indirect_dma source(%dma_start3A_48 : memref<2000000xf32, #tpu.memory_space<hbm>>) target(%dma_start3A_44 : memref<128xf32, #tpu.memory_space<vmem>>) offsets(%dma_start3A_46 : memref<128xi32, #tpu.memory_space<vmem>>) semaphore(%arg16 : memref<!tpu.dma_semaphore, #tpu.memory_space<semaphore_mem>>)
    %dma_start3A_49 = arith.constant 384 : i32
    %dma_start3A_50 = tpu.memref_slice %arg11[%dma_start3A_49] : memref<512xf32, #tpu.memory_space<vmem>> -> memref<128xf32, #tpu.memory_space<vmem>>
    %dma_start3A_51 = arith.constant 384 : i32
    %dma_start3A_52 = tpu.memref_slice %arg9[%dma_start3A_51] : memref<512xi32, #tpu.memory_space<vmem>> -> memref<128xi32, #tpu.memory_space<vmem>>
    %dma_start3A_53 = arith.constant 0 : i32
    %dma_start3A_54 = tpu.memref_slice %arg3[%dma_start3A_53] : memref<2000000xf32, #tpu.memory_space<hbm>> -> memref<2000000xf32, #tpu.memory_space<hbm>>
    tpu.enqueue_indirect_dma source(%dma_start3A_54 : memref<2000000xf32, #tpu.memory_space<hbm>>) target(%dma_start3A_50 : memref<128xf32, #tpu.memory_space<vmem>>) offsets(%dma_start3A_52 : memref<128xi32, #tpu.memory_space<vmem>>) semaphore(%arg16 : memref<!tpu.dma_semaphore, #tpu.memory_space<semaphore_mem>>)
    %dma_wait3A = arith.constant 0 : i32
    %dma_wait3A_55 = tpu.memref_slice %arg10[%dma_wait3A] : memref<512xf32, #tpu.memory_space<vmem>> -> memref<128xf32, #tpu.memory_space<vmem>>
    %dma_wait3A_56 = arith.constant 0 : i32
    %dma_wait3A_57 = tpu.memref_slice %arg8[%dma_wait3A_56] : memref<512xi32, #tpu.memory_space<vmem>> -> memref<128xi32, #tpu.memory_space<vmem>>
    %dma_wait3A_58 = arith.constant 0 : i32
    %dma_wait3A_59 = tpu.memref_slice %arg3[%dma_wait3A_58] : memref<2000000xf32, #tpu.memory_space<hbm>> -> memref<2000000xf32, #tpu.memory_space<hbm>>
    tpu.wait_indirect_dma semaphore(%arg16 : memref<!tpu.dma_semaphore, #tpu.memory_space<semaphore_mem>>) src(%dma_wait3A_59 : memref<2000000xf32, #tpu.memory_space<hbm>>) dst(%dma_wait3A_55 : memref<128xf32, #tpu.memory_space<vmem>>)
    %dma_wait3A_60 = arith.constant 0 : i32
    %dma_wait3A_61 = tpu.memref_slice %arg11[%dma_wait3A_60] : memref<512xf32, #tpu.memory_space<vmem>> -> memref<128xf32, #tpu.memory_space<vmem>>
    %dma_wait3A_62 = arith.constant 0 : i32
    %dma_wait3A_63 = tpu.memref_slice %arg9[%dma_wait3A_62] : memref<512xi32, #tpu.memory_space<vmem>> -> memref<128xi32, #tpu.memory_space<vmem>>
    %dma_wait3A_64 = arith.constant 0 : i32
    %dma_wait3A_65 = tpu.memref_slice %arg3[%dma_wait3A_64] : memref<2000000xf32, #tpu.memory_space<hbm>> -> memref<2000000xf32, #tpu.memory_space<hbm>>
    tpu.wait_indirect_dma semaphore(%arg16 : memref<!tpu.dma_semaphore, #tpu.memory_space<semaphore_mem>>) src(%dma_wait3A_65 : memref<2000000xf32, #tpu.memory_space<hbm>>) dst(%dma_wait3A_61 : memref<128xf32, #tpu.memory_space<vmem>>)
    %dma_wait3A_66 = arith.constant 128 : i32
    %dma_wait3A_67 = tpu.memref_slice %arg10[%dma_wait3A_66] : memref<512xf32, #tpu.memory_space<vmem>> -> memref<128xf32, #tpu.memory_space<vmem>>
    %dma_wait3A_68 = arith.constant 128 : i32
    %dma_wait3A_69 = tpu.memref_slice %arg8[%dma_wait3A_68] : memref<512xi32, #tpu.memory_space<vmem>> -> memref<128xi32, #tpu.memory_space<vmem>>
    %dma_wait3A_70 = arith.constant 0 : i32
    %dma_wait3A_71 = tpu.memref_slice %arg3[%dma_wait3A_70] : memref<2000000xf32, #tpu.memory_space<hbm>> -> memref<2000000xf32, #tpu.memory_space<hbm>>
    tpu.wait_indirect_dma semaphore(%arg16 : memref<!tpu.dma_semaphore, #tpu.memory_space<semaphore_mem>>) src(%dma_wait3A_71 : memref<2000000xf32, #tpu.memory_space<hbm>>) dst(%dma_wait3A_67 : memref<128xf32, #tpu.memory_space<vmem>>)
    %dma_wait3A_72 = arith.constant 128 : i32
    %dma_wait3A_73 = tpu.memref_slice %arg11[%dma_wait3A_72] : memref<512xf32, #tpu.memory_space<vmem>> -> memref<128xf32, #tpu.memory_space<vmem>>
    %dma_wait3A_74 = arith.constant 128 : i32
    %dma_wait3A_75 = tpu.memref_slice %arg9[%dma_wait3A_74] : memref<512xi32, #tpu.memory_space<vmem>> -> memref<128xi32, #tpu.memory_space<vmem>>
    %dma_wait3A_76 = arith.constant 0 : i32
    %dma_wait3A_77 = tpu.memref_slice %arg3[%dma_wait3A_76] : memref<2000000xf32, #tpu.memory_space<hbm>> -> memref<2000000xf32, #tpu.memory_space<hbm>>
    tpu.wait_indirect_dma semaphore(%arg16 : memref<!tpu.dma_semaphore, #tpu.memory_space<semaphore_mem>>) src(%dma_wait3A_77 : memref<2000000xf32, #tpu.memory_space<hbm>>) dst(%dma_wait3A_73 : memref<128xf32, #tpu.memory_space<vmem>>)
    %dma_wait3A_78 = arith.constant 256 : i32
    %dma_wait3A_79 = tpu.memref_slice %arg10[%dma_wait3A_78] : memref<512xf32, #tpu.memory_space<vmem>> -> memref<128xf32, #tpu.memory_space<vmem>>
    %dma_wait3A_80 = arith.constant 256 : i32
    %dma_wait3A_81 = tpu.memref_slice %arg8[%dma_wait3A_80] : memref<512xi32, #tpu.memory_space<vmem>> -> memref<128xi32, #tpu.memory_space<vmem>>
    %dma_wait3A_82 = arith.constant 0 : i32
    %dma_wait3A_83 = tpu.memref_slice %arg3[%dma_wait3A_82] : memref<2000000xf32, #tpu.memory_space<hbm>> -> memref<2000000xf32, #tpu.memory_space<hbm>>
    tpu.wait_indirect_dma semaphore(%arg16 : memref<!tpu.dma_semaphore, #tpu.memory_space<semaphore_mem>>) src(%dma_wait3A_83 : memref<2000000xf32, #tpu.memory_space<hbm>>) dst(%dma_wait3A_79 : memref<128xf32, #tpu.memory_space<vmem>>)
    %dma_wait3A_84 = arith.constant 256 : i32
    %dma_wait3A_85 = tpu.memref_slice %arg11[%dma_wait3A_84] : memref<512xf32, #tpu.memory_space<vmem>> -> memref<128xf32, #tpu.memory_space<vmem>>
    %dma_wait3A_86 = arith.constant 256 : i32
    %dma_wait3A_87 = tpu.memref_slice %arg9[%dma_wait3A_86] : memref<512xi32, #tpu.memory_space<vmem>> -> memref<128xi32, #tpu.memory_space<vmem>>
    %dma_wait3A_88 = arith.constant 0 : i32
    %dma_wait3A_89 = tpu.memref_slice %arg3[%dma_wait3A_88] : memref<2000000xf32, #tpu.memory_space<hbm>> -> memref<2000000xf32, #tpu.memory_space<hbm>>
    tpu.wait_indirect_dma semaphore(%arg16 : memref<!tpu.dma_semaphore, #tpu.memory_space<semaphore_mem>>) src(%dma_wait3A_89 : memref<2000000xf32, #tpu.memory_space<hbm>>) dst(%dma_wait3A_85 : memref<128xf32, #tpu.memory_space<vmem>>)
    %dma_wait3A_90 = arith.constant 384 : i32
    %dma_wait3A_91 = tpu.memref_slice %arg10[%dma_wait3A_90] : memref<512xf32, #tpu.memory_space<vmem>> -> memref<128xf32, #tpu.memory_space<vmem>>
    %dma_wait3A_92 = arith.constant 384 : i32
    %dma_wait3A_93 = tpu.memref_slice %arg8[%dma_wait3A_92] : memref<512xi32, #tpu.memory_space<vmem>> -> memref<128xi32, #tpu.memory_space<vmem>>
    %dma_wait3A_94 = arith.constant 0 : i32
    %dma_wait3A_95 = tpu.memref_slice %arg3[%dma_wait3A_94] : memref<2000000xf32, #tpu.memory_space<hbm>> -> memref<2000000xf32, #tpu.memory_space<hbm>>
    tpu.wait_indirect_dma semaphore(%arg16 : memref<!tpu.dma_semaphore, #tpu.memory_space<semaphore_mem>>) src(%dma_wait3A_95 : memref<2000000xf32, #tpu.memory_space<hbm>>) dst(%dma_wait3A_91 : memref<128xf32, #tpu.memory_space<vmem>>)
    %dma_wait3A_96 = arith.constant 384 : i32
    %dma_wait3A_97 = tpu.memref_slice %arg11[%dma_wait3A_96] : memref<512xf32, #tpu.memory_space<vmem>> -> memref<128xf32, #tpu.memory_space<vmem>>
    %dma_wait3A_98 = arith.constant 384 : i32
    %dma_wait3A_99 = tpu.memref_slice %arg9[%dma_wait3A_98] : memref<512xi32, #tpu.memory_space<vmem>> -> memref<128xi32, #tpu.memory_space<vmem>>
    %dma_wait3A_100 = arith.constant 0 : i32
    %dma_wait3A_101 = tpu.memref_slice %arg3[%dma_wait3A_100] : memref<2000000xf32, #tpu.memory_space<hbm>> -> memref<2000000xf32, #tpu.memory_space<hbm>>
    tpu.wait_indirect_dma semaphore(%arg16 : memref<!tpu.dma_semaphore, #tpu.memory_space<semaphore_mem>>) src(%dma_wait3A_101 : memref<2000000xf32, #tpu.memory_space<hbm>>) dst(%dma_wait3A_97 : memref<128xf32, #tpu.memory_space<vmem>>)
    %scan3A_102 = arith.constant 0 : i32
    %scan3A_103 = arith.constant 0 : i32
    %scan3A_104 = arith.constant 32 : i32
    %scan3A_105 = arith.addi %scan3A_103, %scan3A_104 : i32
    %scan3A_106 = arith.constant 1 : i32
    scf.for %scan3A_108 = %scan3A_103 to %scan3A_105 step %scan3A_106  : i32 {
      %mul3A_109 = arith.constant 16 : i32
      %mul3A_110 = arith.muli %scan3A_108, %mul3A_109 : i32
      %get3A = arith.index_cast %mul3A_110 : i32 to index
      %get3A_111 = tpu.vector_load %arg10[%get3A] {strides = array<i32>} : memref<512xf32, #tpu.memory_space<vmem>>, vector<16xf32>,
      %get3A_112 = vector.shape_cast %get3A_111 : vector<16xf32> to vector<16xf32>
      %get3A_113 = arith.index_cast %mul3A_110 : i32 to index
      %get3A_114 = tpu.vector_load %arg11[%get3A_113] {strides = array<i32>} : memref<512xf32, #tpu.memory_space<vmem>>, vector<16xf32>,
      %get3A_115 = vector.shape_cast %get3A_114 : vector<16xf32> to vector<16xf32>
      %get3A_116 = arith.index_cast %mul3A_110 : i32 to index
      %get3A_117 = tpu.vector_load %arg12[%get3A_116] {strides = array<i32>} : memref<512xf32, #tpu.memory_space<vmem>>, vector<16xf32>,
      %get3A_118 = vector.shape_cast %get3A_117 : vector<16xf32> to vector<16xf32>
      %get3A_119 = arith.index_cast %mul3A_110 : i32 to index
      %get3A_120 = tpu.vector_load %arg13[%get3A_119] {strides = array<i32>} : memref<512xf32, #tpu.memory_space<vmem>>, vector<16xf32>,
      %get3A_121 = vector.shape_cast %get3A_120 : vector<16xf32> to vector<16xf32>
      %get3A_122 = arith.index_cast %mul3A_110 : i32 to index
      %get3A_123 = tpu.vector_load %arg14[%get3A_122] {strides = array<i32>} : memref<512xf32, #tpu.memory_space<vmem>>, vector<16xf32>,
      %get3A_124 = vector.shape_cast %get3A_123 : vector<16xf32> to vector<16xf32>
      %sub3A = arith.subf %get3A_112, %get3A_124 : vector<16xf32>
      %mul3A_125 = arith.mulf %get3A_118, %sub3A : vector<16xf32>
      %sub3A_126 = arith.subf %get3A_115, %get3A_124 : vector<16xf32>
      %mul3A_127 = arith.mulf %get3A_121, %sub3A_126 : vector<16xf32>
      %add3A_128 = arith.addf %mul3A_125, %mul3A_127 : vector<16xf32>
      %neg3A = arith.constant 0.000000e+00 : f32
      %neg3A_129 = vector.broadcast %neg3A : f32 to vector<16xf32>
      %neg3A_130 = arith.subf %neg3A_129, %add3A_128 : vector<16xf32>
      %exp3A = math.exp %neg3A_130 : vector<16xf32>
      %add3A_131 = arith.constant 1.000000e+00 : f32
      %add3A_132 = vector.broadcast %add3A_131 : f32 to vector<16xf32>
      %add3A_133 = arith.addf %add3A_132, %exp3A : vector<16xf32>
      %div3A = arith.constant 1.000000e+00 : f32
      %div3A_134 = vector.broadcast %div3A : f32 to vector<16xf32>
      %div3A_135 = arith.divf %div3A_134, %add3A_133 : vector<16xf32>
      %swap3A = arith.index_cast %mul3A_110 : i32 to index
      %swap3A_136 = tpu.vector_load %arg15[%swap3A] {strides = array<i32>} : memref<512xf32, #tpu.memory_space<vmem>>, vector<16xf32>,
      %swap3A_137 = vector.shape_cast %swap3A_136 : vector<16xf32> to vector<16xf32>
      %swap3A_138 = vector.shape_cast %div3A_135 : vector<16xf32> to vector<16xf32>
      tpu.vector_store %arg15[%swap3A], %swap3A_138 {strides = array<i32>} : memref<512xf32, #tpu.memory_space<vmem>>, vector<16xf32>,
    }
    %scan3A_107 = arith.constant 32 : i32
    "tpu.region"() ({
      %run_scoped3A = tpu.sem_alloc : memref<!tpu.dma_semaphore, #tpu.memory_space<semaphore_mem>>
      %dma_start3A_108 = tpu.memref_slice %arg7[%mul3A_2] : memref<16384xf32, #tpu.memory_space<hbm>> -> memref<512xf32, #tpu.memory_space<hbm>>
      %dma_start3A_109 = tpu.memref_slice %arg7[%mul3A_2] : memref<16384xf32, #tpu.memory_space<hbm>> -> memref<512xf32, #tpu.memory_space<hbm>>
      tpu.enqueue_dma source(%arg15 : memref<512xf32, #tpu.memory_space<vmem>>) target(%dma_start3A_109 : memref<512xf32, #tpu.memory_space<hbm>>) target_semaphore(%run_scoped3A : memref<!tpu.dma_semaphore, #tpu.memory_space<semaphore_mem>>)
      %dma_wait3A_110 = tpu.memref_slice %arg7[%mul3A_2] : memref<16384xf32, #tpu.memory_space<hbm>> -> memref<512xf32, #tpu.memory_space<hbm>>
      %dma_wait3A_111 = tpu.memref_slice %arg7[%mul3A_2] : memref<16384xf32, #tpu.memory_space<hbm>> -> memref<512xf32, #tpu.memory_space<hbm>>
      tpu.wait_dma2 semaphore(%run_scoped3A : memref<!tpu.dma_semaphore, #tpu.memory_space<semaphore_mem>>) src(%arg15 : memref<512xf32, #tpu.memory_space<vmem>>) dst(%dma_wait3A_111 : memref<512xf32, #tpu.memory_space<hbm>>)
      tpu.yield
    }) : () -> ()
    return
  }
}

#map = affine_map<(d0, d1) -> (0)>
module attributes {stable_mosaic.version = 14 : i64} {
  func.func @_ex_body(%arg0: i32, %arg1: i32, %arg2: memref<16384xi32, #tpu.memory_space<hbm>>, %arg3: memref<300000xf32, #tpu.memory_space<hbm>>, %arg4: memref<16384xf32, #tpu.memory_space<hbm>>, %arg5: memref<16384xf32, #tpu.memory_space<hbm>>, %arg6: memref<16384xf32, #tpu.memory_space<hbm>>, %arg7: memref<512xi32, #tpu.memory_space<vmem>>, %arg8: memref<512xi32, #tpu.memory_space<vmem>>, %arg9: memref<512xi32, #tpu.memory_space<vmem>>, %arg10: memref<512xf32, #tpu.memory_space<vmem>>, %arg11: memref<512xf32, #tpu.memory_space<vmem>>, %arg12: memref<512xf32, #tpu.memory_space<vmem>>, %arg13: memref<!tpu.dma_semaphore, #tpu.memory_space<semaphore_mem>>) attributes {dimension_semantics = [#tpu.dimension_semantics<core_parallel>, #tpu.dimension_semantics<subcore_parallel>], iteration_bounds = array<i64: 2, 16>, scalar_prefetch = 0 : i64, scratch_operands = 7 : i64, tpu.core_type = #tpu.core_type<sc_vector_subcore>, window_params = [{transform_indices = #map}, {transform_indices = #map}, {transform_indices = #map}, {transform_indices = #map}, {transform_indices = #map}]} {
    %mul3A = arith.constant 2 : i32
    %mul3A_0 = arith.muli %arg1, %mul3A : i32
    %add3A = arith.addi %mul3A_0, %arg0 : i32
    %mul3A_1 = arith.constant 512 : i32
    %mul3A_2 = arith.muli %add3A, %mul3A_1 : i32
    "tpu.region"() ({
      %run_scoped3A = tpu.sem_alloc : memref<!tpu.dma_semaphore, #tpu.memory_space<semaphore_mem>>
      %dma_start3A_150 = tpu.memref_slice %arg2[%mul3A_2] : memref<16384xi32, #tpu.memory_space<hbm>> -> memref<512xi32, #tpu.memory_space<hbm>>
      %dma_start3A_151 = tpu.memref_slice %arg2[%mul3A_2] : memref<16384xi32, #tpu.memory_space<hbm>> -> memref<512xi32, #tpu.memory_space<hbm>>
      tpu.enqueue_dma source(%dma_start3A_151 : memref<512xi32, #tpu.memory_space<hbm>>) target(%arg7 : memref<512xi32, #tpu.memory_space<vmem>>) target_semaphore(%run_scoped3A : memref<!tpu.dma_semaphore, #tpu.memory_space<semaphore_mem>>)
      %dma_wait3A_152 = tpu.memref_slice %arg2[%mul3A_2] : memref<16384xi32, #tpu.memory_space<hbm>> -> memref<512xi32, #tpu.memory_space<hbm>>
      %dma_wait3A_153 = tpu.memref_slice %arg2[%mul3A_2] : memref<16384xi32, #tpu.memory_space<hbm>> -> memref<512xi32, #tpu.memory_space<hbm>>
      tpu.wait_dma2 semaphore(%run_scoped3A : memref<!tpu.dma_semaphore, #tpu.memory_space<semaphore_mem>>) src(%dma_wait3A_153 : memref<512xi32, #tpu.memory_space<hbm>>) dst(%arg7 : memref<512xi32, #tpu.memory_space<vmem>>)
      tpu.yield
    }) : () -> ()
    %scan3A = arith.constant 0 : i32
    %scan3A_3 = arith.constant 0 : i32
    %scan3A_4 = arith.constant 32 : i32
    %scan3A_5 = arith.addi %scan3A_3, %scan3A_4 : i32
    %scan3A_6 = arith.constant 1 : i32
    scf.for %scan3A_150 = %scan3A_3 to %scan3A_5 step %scan3A_6  : i32 {
      %mul3A_151 = arith.constant 16 : i32
      %mul3A_152 = arith.muli %scan3A_150, %mul3A_151 : i32
      %get3A = arith.index_cast %mul3A_152 : i32 to index
      %get3A_153 = tpu.vector_load %arg7[%get3A] {strides = array<i32>} : memref<512xi32, #tpu.memory_space<vmem>>, vector<16xi32>,
      %get3A_154 = vector.shape_cast %get3A_153 : vector<16xi32> to vector<16xi32>
      %add3A_155 = arith.constant 100000 : i32
      %add3A_156 = vector.broadcast %add3A_155 : i32 to vector<16xi32>
      %add3A_157 = arith.addi %get3A_154, %add3A_156 : vector<16xi32>
      %swap3A = arith.index_cast %mul3A_152 : i32 to index
      %swap3A_158 = tpu.vector_load %arg8[%swap3A] {strides = array<i32>} : memref<512xi32, #tpu.memory_space<vmem>>, vector<16xi32>,
      %swap3A_159 = vector.shape_cast %swap3A_158 : vector<16xi32> to vector<16xi32>
      %swap3A_160 = vector.shape_cast %add3A_157 : vector<16xi32> to vector<16xi32>
      tpu.vector_store %arg8[%swap3A], %swap3A_160 {strides = array<i32>} : memref<512xi32, #tpu.memory_space<vmem>>, vector<16xi32>,
      %add3A_161 = arith.constant 200000 : i32
      %add3A_162 = vector.broadcast %add3A_161 : i32 to vector<16xi32>
      %add3A_163 = arith.addi %get3A_154, %add3A_162 : vector<16xi32>
      %swap3A_164 = arith.index_cast %mul3A_152 : i32 to index
      %swap3A_165 = tpu.vector_load %arg9[%swap3A_164] {strides = array<i32>} : memref<512xi32, #tpu.memory_space<vmem>>, vector<16xi32>,
      %swap3A_166 = vector.shape_cast %swap3A_165 : vector<16xi32> to vector<16xi32>
      %swap3A_167 = vector.shape_cast %add3A_163 : vector<16xi32> to vector<16xi32>
      tpu.vector_store %arg9[%swap3A_164], %swap3A_167 {strides = array<i32>} : memref<512xi32, #tpu.memory_space<vmem>>, vector<16xi32>,
    }
    %scan3A_7 = arith.constant 32 : i32
    %dma_start3A = arith.constant 0 : i32
    %dma_start3A_8 = tpu.memref_slice %arg10[%dma_start3A] : memref<512xf32, #tpu.memory_space<vmem>> -> memref<128xf32, #tpu.memory_space<vmem>>
    %dma_start3A_9 = arith.constant 0 : i32
    %dma_start3A_10 = tpu.memref_slice %arg7[%dma_start3A_9] : memref<512xi32, #tpu.memory_space<vmem>> -> memref<128xi32, #tpu.memory_space<vmem>>
    %dma_start3A_11 = arith.constant 0 : i32
    %dma_start3A_12 = tpu.memref_slice %arg3[%dma_start3A_11] : memref<300000xf32, #tpu.memory_space<hbm>> -> memref<300000xf32, #tpu.memory_space<hbm>>
    tpu.enqueue_indirect_dma source(%dma_start3A_12 : memref<300000xf32, #tpu.memory_space<hbm>>) target(%dma_start3A_8 : memref<128xf32, #tpu.memory_space<vmem>>) offsets(%dma_start3A_10 : memref<128xi32, #tpu.memory_space<vmem>>) semaphore(%arg13 : memref<!tpu.dma_semaphore, #tpu.memory_space<semaphore_mem>>)
    %dma_start3A_13 = arith.constant 0 : i32
    %dma_start3A_14 = tpu.memref_slice %arg11[%dma_start3A_13] : memref<512xf32, #tpu.memory_space<vmem>> -> memref<128xf32, #tpu.memory_space<vmem>>
    %dma_start3A_15 = arith.constant 0 : i32
    %dma_start3A_16 = tpu.memref_slice %arg8[%dma_start3A_15] : memref<512xi32, #tpu.memory_space<vmem>> -> memref<128xi32, #tpu.memory_space<vmem>>
    %dma_start3A_17 = arith.constant 0 : i32
    %dma_start3A_18 = tpu.memref_slice %arg3[%dma_start3A_17] : memref<300000xf32, #tpu.memory_space<hbm>> -> memref<300000xf32, #tpu.memory_space<hbm>>
    tpu.enqueue_indirect_dma source(%dma_start3A_18 : memref<300000xf32, #tpu.memory_space<hbm>>) target(%dma_start3A_14 : memref<128xf32, #tpu.memory_space<vmem>>) offsets(%dma_start3A_16 : memref<128xi32, #tpu.memory_space<vmem>>) semaphore(%arg13 : memref<!tpu.dma_semaphore, #tpu.memory_space<semaphore_mem>>)
    %dma_start3A_19 = arith.constant 0 : i32
    %dma_start3A_20 = tpu.memref_slice %arg12[%dma_start3A_19] : memref<512xf32, #tpu.memory_space<vmem>> -> memref<128xf32, #tpu.memory_space<vmem>>
    %dma_start3A_21 = arith.constant 0 : i32
    %dma_start3A_22 = tpu.memref_slice %arg9[%dma_start3A_21] : memref<512xi32, #tpu.memory_space<vmem>> -> memref<128xi32, #tpu.memory_space<vmem>>
    %dma_start3A_23 = arith.constant 0 : i32
    %dma_start3A_24 = tpu.memref_slice %arg3[%dma_start3A_23] : memref<300000xf32, #tpu.memory_space<hbm>> -> memref<300000xf32, #tpu.memory_space<hbm>>
    tpu.enqueue_indirect_dma source(%dma_start3A_24 : memref<300000xf32, #tpu.memory_space<hbm>>) target(%dma_start3A_20 : memref<128xf32, #tpu.memory_space<vmem>>) offsets(%dma_start3A_22 : memref<128xi32, #tpu.memory_space<vmem>>) semaphore(%arg13 : memref<!tpu.dma_semaphore, #tpu.memory_space<semaphore_mem>>)
    %dma_start3A_25 = arith.constant 128 : i32
    %dma_start3A_26 = tpu.memref_slice %arg10[%dma_start3A_25] : memref<512xf32, #tpu.memory_space<vmem>> -> memref<128xf32, #tpu.memory_space<vmem>>
    %dma_start3A_27 = arith.constant 128 : i32
    %dma_start3A_28 = tpu.memref_slice %arg7[%dma_start3A_27] : memref<512xi32, #tpu.memory_space<vmem>> -> memref<128xi32, #tpu.memory_space<vmem>>
    %dma_start3A_29 = arith.constant 0 : i32
    %dma_start3A_30 = tpu.memref_slice %arg3[%dma_start3A_29] : memref<300000xf32, #tpu.memory_space<hbm>> -> memref<300000xf32, #tpu.memory_space<hbm>>
    tpu.enqueue_indirect_dma source(%dma_start3A_30 : memref<300000xf32, #tpu.memory_space<hbm>>) target(%dma_start3A_26 : memref<128xf32, #tpu.memory_space<vmem>>) offsets(%dma_start3A_28 : memref<128xi32, #tpu.memory_space<vmem>>) semaphore(%arg13 : memref<!tpu.dma_semaphore, #tpu.memory_space<semaphore_mem>>)
    %dma_start3A_31 = arith.constant 128 : i32
    %dma_start3A_32 = tpu.memref_slice %arg11[%dma_start3A_31] : memref<512xf32, #tpu.memory_space<vmem>> -> memref<128xf32, #tpu.memory_space<vmem>>
    %dma_start3A_33 = arith.constant 128 : i32
    %dma_start3A_34 = tpu.memref_slice %arg8[%dma_start3A_33] : memref<512xi32, #tpu.memory_space<vmem>> -> memref<128xi32, #tpu.memory_space<vmem>>
    %dma_start3A_35 = arith.constant 0 : i32
    %dma_start3A_36 = tpu.memref_slice %arg3[%dma_start3A_35] : memref<300000xf32, #tpu.memory_space<hbm>> -> memref<300000xf32, #tpu.memory_space<hbm>>
    tpu.enqueue_indirect_dma source(%dma_start3A_36 : memref<300000xf32, #tpu.memory_space<hbm>>) target(%dma_start3A_32 : memref<128xf32, #tpu.memory_space<vmem>>) offsets(%dma_start3A_34 : memref<128xi32, #tpu.memory_space<vmem>>) semaphore(%arg13 : memref<!tpu.dma_semaphore, #tpu.memory_space<semaphore_mem>>)
    %dma_start3A_37 = arith.constant 128 : i32
    %dma_start3A_38 = tpu.memref_slice %arg12[%dma_start3A_37] : memref<512xf32, #tpu.memory_space<vmem>> -> memref<128xf32, #tpu.memory_space<vmem>>
    %dma_start3A_39 = arith.constant 128 : i32
    %dma_start3A_40 = tpu.memref_slice %arg9[%dma_start3A_39] : memref<512xi32, #tpu.memory_space<vmem>> -> memref<128xi32, #tpu.memory_space<vmem>>
    %dma_start3A_41 = arith.constant 0 : i32
    %dma_start3A_42 = tpu.memref_slice %arg3[%dma_start3A_41] : memref<300000xf32, #tpu.memory_space<hbm>> -> memref<300000xf32, #tpu.memory_space<hbm>>
    tpu.enqueue_indirect_dma source(%dma_start3A_42 : memref<300000xf32, #tpu.memory_space<hbm>>) target(%dma_start3A_38 : memref<128xf32, #tpu.memory_space<vmem>>) offsets(%dma_start3A_40 : memref<128xi32, #tpu.memory_space<vmem>>) semaphore(%arg13 : memref<!tpu.dma_semaphore, #tpu.memory_space<semaphore_mem>>)
    %dma_start3A_43 = arith.constant 256 : i32
    %dma_start3A_44 = tpu.memref_slice %arg10[%dma_start3A_43] : memref<512xf32, #tpu.memory_space<vmem>> -> memref<128xf32, #tpu.memory_space<vmem>>
    %dma_start3A_45 = arith.constant 256 : i32
    %dma_start3A_46 = tpu.memref_slice %arg7[%dma_start3A_45] : memref<512xi32, #tpu.memory_space<vmem>> -> memref<128xi32, #tpu.memory_space<vmem>>
    %dma_start3A_47 = arith.constant 0 : i32
    %dma_start3A_48 = tpu.memref_slice %arg3[%dma_start3A_47] : memref<300000xf32, #tpu.memory_space<hbm>> -> memref<300000xf32, #tpu.memory_space<hbm>>
    tpu.enqueue_indirect_dma source(%dma_start3A_48 : memref<300000xf32, #tpu.memory_space<hbm>>) target(%dma_start3A_44 : memref<128xf32, #tpu.memory_space<vmem>>) offsets(%dma_start3A_46 : memref<128xi32, #tpu.memory_space<vmem>>) semaphore(%arg13 : memref<!tpu.dma_semaphore, #tpu.memory_space<semaphore_mem>>)
    %dma_start3A_49 = arith.constant 256 : i32
    %dma_start3A_50 = tpu.memref_slice %arg11[%dma_start3A_49] : memref<512xf32, #tpu.memory_space<vmem>> -> memref<128xf32, #tpu.memory_space<vmem>>
    %dma_start3A_51 = arith.constant 256 : i32
    %dma_start3A_52 = tpu.memref_slice %arg8[%dma_start3A_51] : memref<512xi32, #tpu.memory_space<vmem>> -> memref<128xi32, #tpu.memory_space<vmem>>
    %dma_start3A_53 = arith.constant 0 : i32
    %dma_start3A_54 = tpu.memref_slice %arg3[%dma_start3A_53] : memref<300000xf32, #tpu.memory_space<hbm>> -> memref<300000xf32, #tpu.memory_space<hbm>>
    tpu.enqueue_indirect_dma source(%dma_start3A_54 : memref<300000xf32, #tpu.memory_space<hbm>>) target(%dma_start3A_50 : memref<128xf32, #tpu.memory_space<vmem>>) offsets(%dma_start3A_52 : memref<128xi32, #tpu.memory_space<vmem>>) semaphore(%arg13 : memref<!tpu.dma_semaphore, #tpu.memory_space<semaphore_mem>>)
    %dma_start3A_55 = arith.constant 256 : i32
    %dma_start3A_56 = tpu.memref_slice %arg12[%dma_start3A_55] : memref<512xf32, #tpu.memory_space<vmem>> -> memref<128xf32, #tpu.memory_space<vmem>>
    %dma_start3A_57 = arith.constant 256 : i32
    %dma_start3A_58 = tpu.memref_slice %arg9[%dma_start3A_57] : memref<512xi32, #tpu.memory_space<vmem>> -> memref<128xi32, #tpu.memory_space<vmem>>
    %dma_start3A_59 = arith.constant 0 : i32
    %dma_start3A_60 = tpu.memref_slice %arg3[%dma_start3A_59] : memref<300000xf32, #tpu.memory_space<hbm>> -> memref<300000xf32, #tpu.memory_space<hbm>>
    tpu.enqueue_indirect_dma source(%dma_start3A_60 : memref<300000xf32, #tpu.memory_space<hbm>>) target(%dma_start3A_56 : memref<128xf32, #tpu.memory_space<vmem>>) offsets(%dma_start3A_58 : memref<128xi32, #tpu.memory_space<vmem>>) semaphore(%arg13 : memref<!tpu.dma_semaphore, #tpu.memory_space<semaphore_mem>>)
    %dma_start3A_61 = arith.constant 384 : i32
    %dma_start3A_62 = tpu.memref_slice %arg10[%dma_start3A_61] : memref<512xf32, #tpu.memory_space<vmem>> -> memref<128xf32, #tpu.memory_space<vmem>>
    %dma_start3A_63 = arith.constant 384 : i32
    %dma_start3A_64 = tpu.memref_slice %arg7[%dma_start3A_63] : memref<512xi32, #tpu.memory_space<vmem>> -> memref<128xi32, #tpu.memory_space<vmem>>
    %dma_start3A_65 = arith.constant 0 : i32
    %dma_start3A_66 = tpu.memref_slice %arg3[%dma_start3A_65] : memref<300000xf32, #tpu.memory_space<hbm>> -> memref<300000xf32, #tpu.memory_space<hbm>>
    tpu.enqueue_indirect_dma source(%dma_start3A_66 : memref<300000xf32, #tpu.memory_space<hbm>>) target(%dma_start3A_62 : memref<128xf32, #tpu.memory_space<vmem>>) offsets(%dma_start3A_64 : memref<128xi32, #tpu.memory_space<vmem>>) semaphore(%arg13 : memref<!tpu.dma_semaphore, #tpu.memory_space<semaphore_mem>>)
    %dma_start3A_67 = arith.constant 384 : i32
    %dma_start3A_68 = tpu.memref_slice %arg11[%dma_start3A_67] : memref<512xf32, #tpu.memory_space<vmem>> -> memref<128xf32, #tpu.memory_space<vmem>>
    %dma_start3A_69 = arith.constant 384 : i32
    %dma_start3A_70 = tpu.memref_slice %arg8[%dma_start3A_69] : memref<512xi32, #tpu.memory_space<vmem>> -> memref<128xi32, #tpu.memory_space<vmem>>
    %dma_start3A_71 = arith.constant 0 : i32
    %dma_start3A_72 = tpu.memref_slice %arg3[%dma_start3A_71] : memref<300000xf32, #tpu.memory_space<hbm>> -> memref<300000xf32, #tpu.memory_space<hbm>>
    tpu.enqueue_indirect_dma source(%dma_start3A_72 : memref<300000xf32, #tpu.memory_space<hbm>>) target(%dma_start3A_68 : memref<128xf32, #tpu.memory_space<vmem>>) offsets(%dma_start3A_70 : memref<128xi32, #tpu.memory_space<vmem>>) semaphore(%arg13 : memref<!tpu.dma_semaphore, #tpu.memory_space<semaphore_mem>>)
    %dma_start3A_73 = arith.constant 384 : i32
    %dma_start3A_74 = tpu.memref_slice %arg12[%dma_start3A_73] : memref<512xf32, #tpu.memory_space<vmem>> -> memref<128xf32, #tpu.memory_space<vmem>>
    %dma_start3A_75 = arith.constant 384 : i32
    %dma_start3A_76 = tpu.memref_slice %arg9[%dma_start3A_75] : memref<512xi32, #tpu.memory_space<vmem>> -> memref<128xi32, #tpu.memory_space<vmem>>
    %dma_start3A_77 = arith.constant 0 : i32
    %dma_start3A_78 = tpu.memref_slice %arg3[%dma_start3A_77] : memref<300000xf32, #tpu.memory_space<hbm>> -> memref<300000xf32, #tpu.memory_space<hbm>>
    tpu.enqueue_indirect_dma source(%dma_start3A_78 : memref<300000xf32, #tpu.memory_space<hbm>>) target(%dma_start3A_74 : memref<128xf32, #tpu.memory_space<vmem>>) offsets(%dma_start3A_76 : memref<128xi32, #tpu.memory_space<vmem>>) semaphore(%arg13 : memref<!tpu.dma_semaphore, #tpu.memory_space<semaphore_mem>>)
    %dma_wait3A = arith.constant 0 : i32
    %dma_wait3A_79 = tpu.memref_slice %arg10[%dma_wait3A] : memref<512xf32, #tpu.memory_space<vmem>> -> memref<128xf32, #tpu.memory_space<vmem>>
    %dma_wait3A_80 = arith.constant 0 : i32
    %dma_wait3A_81 = tpu.memref_slice %arg7[%dma_wait3A_80] : memref<512xi32, #tpu.memory_space<vmem>> -> memref<128xi32, #tpu.memory_space<vmem>>
    %dma_wait3A_82 = arith.constant 0 : i32
    %dma_wait3A_83 = tpu.memref_slice %arg3[%dma_wait3A_82] : memref<300000xf32, #tpu.memory_space<hbm>> -> memref<300000xf32, #tpu.memory_space<hbm>>
    tpu.wait_indirect_dma semaphore(%arg13 : memref<!tpu.dma_semaphore, #tpu.memory_space<semaphore_mem>>) src(%dma_wait3A_83 : memref<300000xf32, #tpu.memory_space<hbm>>) dst(%dma_wait3A_79 : memref<128xf32, #tpu.memory_space<vmem>>)
    %dma_wait3A_84 = arith.constant 0 : i32
    %dma_wait3A_85 = tpu.memref_slice %arg11[%dma_wait3A_84] : memref<512xf32, #tpu.memory_space<vmem>> -> memref<128xf32, #tpu.memory_space<vmem>>
    %dma_wait3A_86 = arith.constant 0 : i32
    %dma_wait3A_87 = tpu.memref_slice %arg8[%dma_wait3A_86] : memref<512xi32, #tpu.memory_space<vmem>> -> memref<128xi32, #tpu.memory_space<vmem>>
    %dma_wait3A_88 = arith.constant 0 : i32
    %dma_wait3A_89 = tpu.memref_slice %arg3[%dma_wait3A_88] : memref<300000xf32, #tpu.memory_space<hbm>> -> memref<300000xf32, #tpu.memory_space<hbm>>
    tpu.wait_indirect_dma semaphore(%arg13 : memref<!tpu.dma_semaphore, #tpu.memory_space<semaphore_mem>>) src(%dma_wait3A_89 : memref<300000xf32, #tpu.memory_space<hbm>>) dst(%dma_wait3A_85 : memref<128xf32, #tpu.memory_space<vmem>>)
    %dma_wait3A_90 = arith.constant 0 : i32
    %dma_wait3A_91 = tpu.memref_slice %arg12[%dma_wait3A_90] : memref<512xf32, #tpu.memory_space<vmem>> -> memref<128xf32, #tpu.memory_space<vmem>>
    %dma_wait3A_92 = arith.constant 0 : i32
    %dma_wait3A_93 = tpu.memref_slice %arg9[%dma_wait3A_92] : memref<512xi32, #tpu.memory_space<vmem>> -> memref<128xi32, #tpu.memory_space<vmem>>
    %dma_wait3A_94 = arith.constant 0 : i32
    %dma_wait3A_95 = tpu.memref_slice %arg3[%dma_wait3A_94] : memref<300000xf32, #tpu.memory_space<hbm>> -> memref<300000xf32, #tpu.memory_space<hbm>>
    tpu.wait_indirect_dma semaphore(%arg13 : memref<!tpu.dma_semaphore, #tpu.memory_space<semaphore_mem>>) src(%dma_wait3A_95 : memref<300000xf32, #tpu.memory_space<hbm>>) dst(%dma_wait3A_91 : memref<128xf32, #tpu.memory_space<vmem>>)
    %dma_wait3A_96 = arith.constant 128 : i32
    %dma_wait3A_97 = tpu.memref_slice %arg10[%dma_wait3A_96] : memref<512xf32, #tpu.memory_space<vmem>> -> memref<128xf32, #tpu.memory_space<vmem>>
    %dma_wait3A_98 = arith.constant 128 : i32
    %dma_wait3A_99 = tpu.memref_slice %arg7[%dma_wait3A_98] : memref<512xi32, #tpu.memory_space<vmem>> -> memref<128xi32, #tpu.memory_space<vmem>>
    %dma_wait3A_100 = arith.constant 0 : i32
    %dma_wait3A_101 = tpu.memref_slice %arg3[%dma_wait3A_100] : memref<300000xf32, #tpu.memory_space<hbm>> -> memref<300000xf32, #tpu.memory_space<hbm>>
    tpu.wait_indirect_dma semaphore(%arg13 : memref<!tpu.dma_semaphore, #tpu.memory_space<semaphore_mem>>) src(%dma_wait3A_101 : memref<300000xf32, #tpu.memory_space<hbm>>) dst(%dma_wait3A_97 : memref<128xf32, #tpu.memory_space<vmem>>)
    %dma_wait3A_102 = arith.constant 128 : i32
    %dma_wait3A_103 = tpu.memref_slice %arg11[%dma_wait3A_102] : memref<512xf32, #tpu.memory_space<vmem>> -> memref<128xf32, #tpu.memory_space<vmem>>
    %dma_wait3A_104 = arith.constant 128 : i32
    %dma_wait3A_105 = tpu.memref_slice %arg8[%dma_wait3A_104] : memref<512xi32, #tpu.memory_space<vmem>> -> memref<128xi32, #tpu.memory_space<vmem>>
    %dma_wait3A_106 = arith.constant 0 : i32
    %dma_wait3A_107 = tpu.memref_slice %arg3[%dma_wait3A_106] : memref<300000xf32, #tpu.memory_space<hbm>> -> memref<300000xf32, #tpu.memory_space<hbm>>
    tpu.wait_indirect_dma semaphore(%arg13 : memref<!tpu.dma_semaphore, #tpu.memory_space<semaphore_mem>>) src(%dma_wait3A_107 : memref<300000xf32, #tpu.memory_space<hbm>>) dst(%dma_wait3A_103 : memref<128xf32, #tpu.memory_space<vmem>>)
    %dma_wait3A_108 = arith.constant 128 : i32
    %dma_wait3A_109 = tpu.memref_slice %arg12[%dma_wait3A_108] : memref<512xf32, #tpu.memory_space<vmem>> -> memref<128xf32, #tpu.memory_space<vmem>>
    %dma_wait3A_110 = arith.constant 128 : i32
    %dma_wait3A_111 = tpu.memref_slice %arg9[%dma_wait3A_110] : memref<512xi32, #tpu.memory_space<vmem>> -> memref<128xi32, #tpu.memory_space<vmem>>
    %dma_wait3A_112 = arith.constant 0 : i32
    %dma_wait3A_113 = tpu.memref_slice %arg3[%dma_wait3A_112] : memref<300000xf32, #tpu.memory_space<hbm>> -> memref<300000xf32, #tpu.memory_space<hbm>>
    tpu.wait_indirect_dma semaphore(%arg13 : memref<!tpu.dma_semaphore, #tpu.memory_space<semaphore_mem>>) src(%dma_wait3A_113 : memref<300000xf32, #tpu.memory_space<hbm>>) dst(%dma_wait3A_109 : memref<128xf32, #tpu.memory_space<vmem>>)
    %dma_wait3A_114 = arith.constant 256 : i32
    %dma_wait3A_115 = tpu.memref_slice %arg10[%dma_wait3A_114] : memref<512xf32, #tpu.memory_space<vmem>> -> memref<128xf32, #tpu.memory_space<vmem>>
    %dma_wait3A_116 = arith.constant 256 : i32
    %dma_wait3A_117 = tpu.memref_slice %arg7[%dma_wait3A_116] : memref<512xi32, #tpu.memory_space<vmem>> -> memref<128xi32, #tpu.memory_space<vmem>>
    %dma_wait3A_118 = arith.constant 0 : i32
    %dma_wait3A_119 = tpu.memref_slice %arg3[%dma_wait3A_118] : memref<300000xf32, #tpu.memory_space<hbm>> -> memref<300000xf32, #tpu.memory_space<hbm>>
    tpu.wait_indirect_dma semaphore(%arg13 : memref<!tpu.dma_semaphore, #tpu.memory_space<semaphore_mem>>) src(%dma_wait3A_119 : memref<300000xf32, #tpu.memory_space<hbm>>) dst(%dma_wait3A_115 : memref<128xf32, #tpu.memory_space<vmem>>)
    %dma_wait3A_120 = arith.constant 256 : i32
    %dma_wait3A_121 = tpu.memref_slice %arg11[%dma_wait3A_120] : memref<512xf32, #tpu.memory_space<vmem>> -> memref<128xf32, #tpu.memory_space<vmem>>
    %dma_wait3A_122 = arith.constant 256 : i32
    %dma_wait3A_123 = tpu.memref_slice %arg8[%dma_wait3A_122] : memref<512xi32, #tpu.memory_space<vmem>> -> memref<128xi32, #tpu.memory_space<vmem>>
    %dma_wait3A_124 = arith.constant 0 : i32
    %dma_wait3A_125 = tpu.memref_slice %arg3[%dma_wait3A_124] : memref<300000xf32, #tpu.memory_space<hbm>> -> memref<300000xf32, #tpu.memory_space<hbm>>
    tpu.wait_indirect_dma semaphore(%arg13 : memref<!tpu.dma_semaphore, #tpu.memory_space<semaphore_mem>>) src(%dma_wait3A_125 : memref<300000xf32, #tpu.memory_space<hbm>>) dst(%dma_wait3A_121 : memref<128xf32, #tpu.memory_space<vmem>>)
    %dma_wait3A_126 = arith.constant 256 : i32
    %dma_wait3A_127 = tpu.memref_slice %arg12[%dma_wait3A_126] : memref<512xf32, #tpu.memory_space<vmem>> -> memref<128xf32, #tpu.memory_space<vmem>>
    %dma_wait3A_128 = arith.constant 256 : i32
    %dma_wait3A_129 = tpu.memref_slice %arg9[%dma_wait3A_128] : memref<512xi32, #tpu.memory_space<vmem>> -> memref<128xi32, #tpu.memory_space<vmem>>
    %dma_wait3A_130 = arith.constant 0 : i32
    %dma_wait3A_131 = tpu.memref_slice %arg3[%dma_wait3A_130] : memref<300000xf32, #tpu.memory_space<hbm>> -> memref<300000xf32, #tpu.memory_space<hbm>>
    tpu.wait_indirect_dma semaphore(%arg13 : memref<!tpu.dma_semaphore, #tpu.memory_space<semaphore_mem>>) src(%dma_wait3A_131 : memref<300000xf32, #tpu.memory_space<hbm>>) dst(%dma_wait3A_127 : memref<128xf32, #tpu.memory_space<vmem>>)
    %dma_wait3A_132 = arith.constant 384 : i32
    %dma_wait3A_133 = tpu.memref_slice %arg10[%dma_wait3A_132] : memref<512xf32, #tpu.memory_space<vmem>> -> memref<128xf32, #tpu.memory_space<vmem>>
    %dma_wait3A_134 = arith.constant 384 : i32
    %dma_wait3A_135 = tpu.memref_slice %arg7[%dma_wait3A_134] : memref<512xi32, #tpu.memory_space<vmem>> -> memref<128xi32, #tpu.memory_space<vmem>>
    %dma_wait3A_136 = arith.constant 0 : i32
    %dma_wait3A_137 = tpu.memref_slice %arg3[%dma_wait3A_136] : memref<300000xf32, #tpu.memory_space<hbm>> -> memref<300000xf32, #tpu.memory_space<hbm>>
    tpu.wait_indirect_dma semaphore(%arg13 : memref<!tpu.dma_semaphore, #tpu.memory_space<semaphore_mem>>) src(%dma_wait3A_137 : memref<300000xf32, #tpu.memory_space<hbm>>) dst(%dma_wait3A_133 : memref<128xf32, #tpu.memory_space<vmem>>)
    %dma_wait3A_138 = arith.constant 384 : i32
    %dma_wait3A_139 = tpu.memref_slice %arg11[%dma_wait3A_138] : memref<512xf32, #tpu.memory_space<vmem>> -> memref<128xf32, #tpu.memory_space<vmem>>
    %dma_wait3A_140 = arith.constant 384 : i32
    %dma_wait3A_141 = tpu.memref_slice %arg8[%dma_wait3A_140] : memref<512xi32, #tpu.memory_space<vmem>> -> memref<128xi32, #tpu.memory_space<vmem>>
    %dma_wait3A_142 = arith.constant 0 : i32
    %dma_wait3A_143 = tpu.memref_slice %arg3[%dma_wait3A_142] : memref<300000xf32, #tpu.memory_space<hbm>> -> memref<300000xf32, #tpu.memory_space<hbm>>
    tpu.wait_indirect_dma semaphore(%arg13 : memref<!tpu.dma_semaphore, #tpu.memory_space<semaphore_mem>>) src(%dma_wait3A_143 : memref<300000xf32, #tpu.memory_space<hbm>>) dst(%dma_wait3A_139 : memref<128xf32, #tpu.memory_space<vmem>>)
    %dma_wait3A_144 = arith.constant 384 : i32
    %dma_wait3A_145 = tpu.memref_slice %arg12[%dma_wait3A_144] : memref<512xf32, #tpu.memory_space<vmem>> -> memref<128xf32, #tpu.memory_space<vmem>>
    %dma_wait3A_146 = arith.constant 384 : i32
    %dma_wait3A_147 = tpu.memref_slice %arg9[%dma_wait3A_146] : memref<512xi32, #tpu.memory_space<vmem>> -> memref<128xi32, #tpu.memory_space<vmem>>
    %dma_wait3A_148 = arith.constant 0 : i32
    %dma_wait3A_149 = tpu.memref_slice %arg3[%dma_wait3A_148] : memref<300000xf32, #tpu.memory_space<hbm>> -> memref<300000xf32, #tpu.memory_space<hbm>>
    tpu.wait_indirect_dma semaphore(%arg13 : memref<!tpu.dma_semaphore, #tpu.memory_space<semaphore_mem>>) src(%dma_wait3A_149 : memref<300000xf32, #tpu.memory_space<hbm>>) dst(%dma_wait3A_145 : memref<128xf32, #tpu.memory_space<vmem>>)
    "tpu.region"() ({
      %run_scoped3A = tpu.sem_alloc : memref<!tpu.dma_semaphore, #tpu.memory_space<semaphore_mem>>
      %dma_start3A_150 = tpu.memref_slice %arg4[%mul3A_2] : memref<16384xf32, #tpu.memory_space<hbm>> -> memref<512xf32, #tpu.memory_space<hbm>>
      %dma_start3A_151 = tpu.memref_slice %arg4[%mul3A_2] : memref<16384xf32, #tpu.memory_space<hbm>> -> memref<512xf32, #tpu.memory_space<hbm>>
      tpu.enqueue_dma source(%arg10 : memref<512xf32, #tpu.memory_space<vmem>>) target(%dma_start3A_151 : memref<512xf32, #tpu.memory_space<hbm>>) target_semaphore(%run_scoped3A : memref<!tpu.dma_semaphore, #tpu.memory_space<semaphore_mem>>)
      %dma_wait3A_152 = tpu.memref_slice %arg4[%mul3A_2] : memref<16384xf32, #tpu.memory_space<hbm>> -> memref<512xf32, #tpu.memory_space<hbm>>
      %dma_wait3A_153 = tpu.memref_slice %arg4[%mul3A_2] : memref<16384xf32, #tpu.memory_space<hbm>> -> memref<512xf32, #tpu.memory_space<hbm>>
      tpu.wait_dma2 semaphore(%run_scoped3A : memref<!tpu.dma_semaphore, #tpu.memory_space<semaphore_mem>>) src(%arg10 : memref<512xf32, #tpu.memory_space<vmem>>) dst(%dma_wait3A_153 : memref<512xf32, #tpu.memory_space<hbm>>)
      tpu.yield
    }) : () -> ()
    "tpu.region"() ({
      %run_scoped3A = tpu.sem_alloc : memref<!tpu.dma_semaphore, #tpu.memory_space<semaphore_mem>>
      %dma_start3A_150 = tpu.memref_slice %arg5[%mul3A_2] : memref<16384xf32, #tpu.memory_space<hbm>> -> memref<512xf32, #tpu.memory_space<hbm>>
      %dma_start3A_151 = tpu.memref_slice %arg5[%mul3A_2] : memref<16384xf32, #tpu.memory_space<hbm>> -> memref<512xf32, #tpu.memory_space<hbm>>
      tpu.enqueue_dma source(%arg11 : memref<512xf32, #tpu.memory_space<vmem>>) target(%dma_start3A_151 : memref<512xf32, #tpu.memory_space<hbm>>) target_semaphore(%run_scoped3A : memref<!tpu.dma_semaphore, #tpu.memory_space<semaphore_mem>>)
      %dma_wait3A_152 = tpu.memref_slice %arg5[%mul3A_2] : memref<16384xf32, #tpu.memory_space<hbm>> -> memref<512xf32, #tpu.memory_space<hbm>>
      %dma_wait3A_153 = tpu.memref_slice %arg5[%mul3A_2] : memref<16384xf32, #tpu.memory_space<hbm>> -> memref<512xf32, #tpu.memory_space<hbm>>
      tpu.wait_dma2 semaphore(%run_scoped3A : memref<!tpu.dma_semaphore, #tpu.memory_space<semaphore_mem>>) src(%arg11 : memref<512xf32, #tpu.memory_space<vmem>>) dst(%dma_wait3A_153 : memref<512xf32, #tpu.memory_space<hbm>>)
      tpu.yield
    }) : () -> ()
    "tpu.region"() ({
      %run_scoped3A = tpu.sem_alloc : memref<!tpu.dma_semaphore, #tpu.memory_space<semaphore_mem>>
      %dma_start3A_150 = tpu.memref_slice %arg6[%mul3A_2] : memref<16384xf32, #tpu.memory_space<hbm>> -> memref<512xf32, #tpu.memory_space<hbm>>
      %dma_start3A_151 = tpu.memref_slice %arg6[%mul3A_2] : memref<16384xf32, #tpu.memory_space<hbm>> -> memref<512xf32, #tpu.memory_space<hbm>>
      tpu.enqueue_dma source(%arg12 : memref<512xf32, #tpu.memory_space<vmem>>) target(%dma_start3A_151 : memref<512xf32, #tpu.memory_space<hbm>>) target_semaphore(%run_scoped3A : memref<!tpu.dma_semaphore, #tpu.memory_space<semaphore_mem>>)
      %dma_wait3A_152 = tpu.memref_slice %arg6[%mul3A_2] : memref<16384xf32, #tpu.memory_space<hbm>> -> memref<512xf32, #tpu.memory_space<hbm>>
      %dma_wait3A_153 = tpu.memref_slice %arg6[%mul3A_2] : memref<16384xf32, #tpu.memory_space<hbm>> -> memref<512xf32, #tpu.memory_space<hbm>>
      tpu.wait_dma2 semaphore(%run_scoped3A : memref<!tpu.dma_semaphore, #tpu.memory_space<semaphore_mem>>) src(%arg12 : memref<512xf32, #tpu.memory_space<vmem>>) dst(%dma_wait3A_153 : memref<512xf32, #tpu.memory_space<hbm>>)
      tpu.yield
    }) : () -> ()
    return
  }
}

</mosaic_0001>

<sc_bundles>
// kernel: kernel.4.cloned.1.call-start
scs
__scs_entry_jumppad:
0x0: {  	(pc) =	sbr.rel $0x88, $3  }
0x1: {  	(tag) =	ssettag $0x0;
	lr =	simm.s32 $0x1  }
0x2: {  	[smem:$0x3F9C] =	sst lr;
	_ =	strace $0xD0000000  }
0x3: {  	_ = 	snop  }
0x4: {  	_ = 	snop  }
0x5: {  	_ = 	snop  }
0x6: {  	_ = 	snop  }
0x7: {  	_ = 	snop  }
__scs_overlays_trampoline_lowered:
0x8: {  	[smem:$0x3FAB] =	sst s0  }
0x9: {  	[smem:$0x3FAC] =	sst s1  }
0xa: {  	[smem:$0x3FAD] =	sst s2  }
0xb: {  	[smem:$0x3FAE] =	sst s3  }
0xc: {  	[smem:$0x3FAF] =	sst s4  }
0xd: {  	[smem:$0x3FB0] =	sst s5  }
0xe: {  	[smem:$0x3FB1] =	sst s6  }
0xf: {  	[smem:$0x3FB2] =	sst s7  }
0x10: {  	[smem:$0x3FB3] =	sst s8  }
0x11: {  	[smem:$0x3FB4] =	sst s9;
	s0 =	simm.s32 @!p0 $0x0  }
0x12: {  	s1 =	sld [smem:$0x3F9A];
	s0 =	simm.s32 @p0 $0x1  }
0x13: {  	[smem:$0x3FB5] =	sst s0;
	s0 =	simm.s32 @!p1 $0x0  }
0x14: {  	s2 =	sld [smem:$0x3F99];
	s0 =	simm.s32 @p1 $0x1  }
0x15: {  	[smem:$0x3FB6] =	sst s0;
	s0 =	simm.s32 @!p2 $0x0  }
0x16: {  	s3 =	sld [smem:$0x3FDB];
	s0 =	simm.s32 @p2 $0x1  }
0x17: {  	s4 =	simm.s32 $0x1BF5;
	[smem:$0x3FB8] =	sst s0  }
0x18: {  	s0 =	sld [smem:$0x3F9B];
	_ =	swait.ge [sflag:s4], $0x0  }
0x19: {  	s7 =	sld [smem:$0x3F9C]  }
0x1a: {  	s8 =	sadd.s32 $0xFFFFE003, lr  }
0x1b: {  	s9 =	sadd.s32 $0xFFFFFEF7, lr;
	s5 =	simm.s32 $0xFFFFFFFF;
	p2 =	slt.u32 s8, $0xFFFFF086  }
0x1c: {  	p1 =	slt.u32 s9, $0xF7A;
	s5 =	simm.s32 @!p2 $0x0  }
0x1d: {  	s5 =	simm.s32 @p1 $0x1;
	p0 =	seq.s32 s7, s2  }
0x1e: {  	s7 =	smul.u32 @!p0 $0xF7A, s2;
	p2 =	seq.s32 @!p0 s5, $0x0  }
0x1f: {  	s9 =	smul.u32 $0xF7A, s1;
	s8 =	simm.s32 @!p0 $0x1BF5;
	p2 =	por !p2, p0  }
0x20: {  	[sflag:s8] =	ssyncset.s32 @!p0 $0xFFFFF086;
	s6 =	sadd.s32 @!p0 s3, s7;
	s7 =	simm.s32 @!p0 $0x108  }
0x21: {  	s3 =	sadd.s32 s3, s9;
	s6 =	sadd.s32 @!p0 $0x88, s6;
	s7 =	simm.s32 @p2 $0x1082  }
0x22: {  	[simem:s7], [sflag:s8] =	dma.local @!p0 [hbm:s6], $0xF7A  }
0x23: {  	s9 =	sor.u32 $0xD0000000, s2;
	s6 =	simm.s32 $0x108;
	_ =	swait.ge @!p0 [sflag:s8], $0x0  }
0x24: {  	s3 =	sadd.s32 $0x88, s3;
	s6 =	simm.s32 @!p1 $0x1082;
	[sflag:s4] =	ssyncset.s32 $0xFFFFF086  }
0x25: {  	[simem:s6], [sflag:s4] =	dma.local [hbm:s3], $0xF7A  }
0x26: {  	[smem:$0x3F9C] =	sst s1;
	(tag) =	ssettag s2;
	_ =	strace s9  }
0x27: {  	s1 =	sld [smem:$0x3FAC]  }
0x28: {  	s2 =	sld [smem:$0x3FAD]  }
0x29: {  	s4 =	sld [smem:$0x3FAF]  }
0x2a: {  	p0 =	seq.s32 s5, $0x0;
	s5 =	sld [smem:$0x3FB0]  }
0x2b: {  	s6 =	sld [smem:$0x3FB1]  }
0x2c: {  	s7 =	sld [smem:$0x3FB2]  }
0x2d: {  	s3 =	simm.s32 $0x108;
	s8 =	sld [smem:$0x3FB3]  }
0x2e: {  	s3 =	simm.s32 @!p0 $0x1082;
	s9 =	sld [smem:$0x3FB4]  }
0x2f: {  	lr =	sadd.s32 s0, s3;
	s0 =	sld [smem:$0x3FAB]  }
0x30: {  	s3 =	sld [smem:$0x3FAE]  }
0x31: {  	[smem:$0x3FB7] =	sst s10  }
0x32: {  	s10 =	sld [smem:$0x3FB5];
	_ =	sdelay $0x3  }
0x33: {  	p0 =	seq.s32 s10, $0x1;
	s10 =	sld [smem:$0x3FB7];
	_ =	sdelay $0x3  }
0x34: {  	[smem:$0x3FB7] =	sst s10  }
0x35: {  	s10 =	sld [smem:$0x3FB6];
	_ =	sdelay $0x3  }
0x36: {  	p1 =	seq.s32 s10, $0x1;
	s10 =	sld [smem:$0x3FB7];
	_ =	sdelay $0x3  }
0x37: {  	[smem:$0x3FB7] =	sst s10  }
0x38: {  	s10 =	sld [smem:$0x3FB8]  }
0x39: {  	_ = 	snop;
	(pc) =	sbr.ind lr, $3  }
0x3a: {  	_ = 	snop  }
0x3b: {  	_ = 	snop  }
0x3c: {  	p2 =	seq.s32 s10, $0x1;
	s10 =	sld [smem:$0x3FB7]  }
0x3d: {  	_ =	shalt  }
0x3e: {  	_ =	shalt  }
0x3f: {  	_ =	shalt  }
0x40: {  	_ =	shalt  }
0x41: {  	_ =	shalt  }
0x42: {  	_ =	shalt  }
0x43: {  	_ =	shalt  }
0x44: {  	_ =	shalt  }
0x45: {  	_ =	shalt  }
0x46: {  	_ =	shalt  }
0x47: {  	_ =	shalt  }
0x48: {  	_ =	shalt  }
0x49: {  	_ =	shalt  }
0x4a: {  	_ =	shalt  }
0x4b: {  	_ =	shalt  }
0x4c: {  	_ =	shalt  }
0x4d: {  	_ =	shalt  }
0x4e: {  	_ =	shalt  }
0x4f: {  	_ =	shalt  }
0x50: {  	_ =	shalt  }
0x51: {  	_ =	shalt  }
0x52: {  	_ =	shalt  }
0x53: {  	_ =	shalt  }
0x54: {  	_ =	shalt  }
0x55: {  	_ =	shalt  }
0x56: {  	_ =	shalt  }
0x57: {  	_ =	shalt  }
0x58: {  	_ =	shalt  }
0x59: {  	_ =	shalt  }
0x5a: {  	_ =	shalt  }
0x5b: {  	_ =	shalt  }
0x5c: {  	_ =	shalt  }
0x5d: {  	_ =	shalt  }
0x5e: {  	_ =	shalt  }
0x5f: {  	_ =	shalt  }
0x60: {  	_ =	shalt  }
0x61: {  	_ =	shalt  }
0x62: {  	_ =	shalt  }
0x63: {  	_ =	shalt  }
0x64: {  	_ =	shalt  }
0x65: {  	_ =	shalt  }
0x66: {  	_ =	shalt  }
0x67: {  	_ =	shalt  }
0x68: {  	_ =	shalt  }
0x69: {  	_ =	shalt  }
0x6a: {  	_ =	shalt  }
0x6b: {  	_ =	shalt  }
0x6c: {  	_ =	shalt  }
0x6d: {  	_ =	shalt  }
0x6e: {  	_ =	shalt  }
0x6f: {  	_ =	shalt  }
0x70: {  	_ =	shalt  }
0x71: {  	_ =	shalt  }
0x72: {  	_ =	shalt  }
0x73: {  	_ =	shalt  }
0x74: {  	_ =	shalt  }
0x75: {  	_ =	shalt  }
0x76: {  	_ =	shalt  }
0x77: {  	_ =	shalt  }
0x78: {  	_ =	shalt  }
0x79: {  	_ =	shalt  }
0x7a: {  	_ =	shalt  }
0x7b: {  	_ =	shalt  }
0x7c: {  	_ =	shalt  }
0x7d: {  	_ =	shalt  }
0x7e: {  	_ =	shalt  }
0x7f: {  	_ =	shalt  }
0x80: {  	_ =	shalt  }
0x81: {  	_ =	shalt  }
0x82: {  	_ =	shalt  }
0x83: {  	_ =	shalt  }
0x84: {  	_ =	shalt  }
0x85: {  	_ =	shalt  }
0x86: {  	_ =	shalt  }
0x87: {  	_ =	shalt  }
.Lfunc_end0:
.L_simem_size_0:
called_computation_lowered:
.L_overlay_start_0:
0x88: {  	s2 =	sld [smem:$0x3FD9]  }
0x89: {  	s3 =	sld [smem:$0x3FFE];
	_ =	sdelay $0x1  }
0x8a: {  	s1 =	srdreg.scid  }
0x8b: {  	s0 =	sand.u32 $0x1, s1  }
0x8c: {  	s17 =	sshll.u32 s0, $0xA;
	s2 =	sadd.s32 s3, s2  }
0x8d: {  	s2 =	sadd.s32 s2, s17  }
0x8e: {  	[smem:$0x3FC3] =	sst s2  }
0x8f: {  	_ = 	snop  }
0x90: {  	s2 =	sld [smem:$0x3FC8];
	(tm) =	ssettm $0x1  }
0x91: {  	s18 =	sld [smem:$0x3FFB];
	_ =	sdelay $0x3  }
0x92: {  	_ =	strace s18  }
0x93: {  	s3 =	sld [smem:$0x3FFC];
	_ =	sdelay $0x3  }
0x94: {  	_ =	strace s3  }
0x95: {  	s3 =	sld [smem:$0x3FFD];
	_ =	sdelay $0x3  }
0x96: {  	_ =	strace s3  }
0x97: {  	_ =	strace $0x8FFFFFFF  }
0x98: {  	s19 =	sld [smem:$0x3FDB];
	_ =	sdelay $0x1  }
0x99: {  	s4 =	simm.s32 $_scs_section_size  }
0x9a: {  	s5 =	simm.s32 $_size__tile_overlayer_lowered;
	s6 =	simm.s32 $_tile_overlayer_lowered  }
0x9b: {  	s22 =	simm.s32 $0x1BFF;
	s21 =	sshll.u32 s6, $0x1;
	s3 =	sadd.s32 s4, s19  }
0x9c: {  	s7 =	simm.s32 $0x0;
	s20 =	sshll.u32 s5, $0x1;
	s5 =	sadd.s32 s21, s3  }
0x9d: {  	[timem:s7], [sflag:s22] =	dma.local [hbm:s5], s20  }
0x9e: {  	_ =	swait.ge [sflag:s22], s20  }
0x9f: {  	s4 =	ssub.s32 $0x0, s20;
	[sflag:s22] =	ssyncset.done $0x0  }
0xa0: {  	[sflag:s22] =	ssyncadd.s32 s4;
	_ =	sdelay $0x1  }
0xa1: {  	s23 =	simm.s32 $0x1B8B  }
0xa2: {  	_ =	swait.ge [sflag:s23], $0x1  }
0xa3: {  	[sflag:s23] =	ssyncset.done $0x0  }
0xa4: {  	s25 =	simm.s32 $0x1B8E;
	s24 =	sld [smem:$0x3FFE];
	[sflag:s23] =	ssyncadd.s32 $0xFFFFFFFF  }
0xa5: {  	s26 =	simm.s32 $execute0_lowered;
	[smem:$0x3FD2] =	sst s25  }
0xa6: {  	s5 =	sshll.u32 s26, $0x1;
	_ =	strace $0x80000046;
	[dreg:$0x1] =	wrdreg $0xFFFFFFFF  }
0xa7: {  	s28 =	simm.s32 $_size_execute0_lowered;
	s3 =	sadd.s32 s3, s5;
	[dreg:$0x0] =	wrdreg $0x0  }
0xa8: {  	s5 =	sshll.u32 s28, $0x1;
	[dreg:$0x2] =	wrdreg s3  }
0xa9: {  	[dreg:$0x3] =	wrdreg s5  }
0xaa: {  	[dreg:$0x4] =	wrdreg $0xC0  }
0xab: {  	_ =	task [dreg:s7], $0x5FFFF  }
0xac: {  	[dreg:$0x1] =	wrdreg $0xFFFFFFFF  }
0xad: {  	[dreg:$0x0] =	wrdreg $0x60  }
0xae: {  	[dreg:$0x2] =	wrdreg s2  }
0xaf: {  	[dreg:$0x3] =	wrdreg s24  }
0xb0: {  	[dreg:$0x4] =	wrdreg $0x9  }
0xb1: {  	_ =	task.clear_ibuf [dreg:s7], $0x5FFFF;
	_ =	strace $0x90000046  }
0xb2: {  	s29 =	simm.s32 $0x9;
	_ =	strace $0x80000048  }
0xb3: {  	_ =	swait.ge [sflag:s29], $0x1  }
0xb4: {  	[sflag:s29] =	ssyncadd.s32 $0xFFFFFFFF  }
0xb5: {  	_ =	strace $0x90000048  }
0xb6: {  	_ =	sfence  }
0xb7: {  	s30 =	sld [smem:$0x0];
	_ =	sdelay $0x2  }
0xb8: {  	s31 =	sshll.u32 s1, $0xD;
	s1 =	sshrl.u32 s1, $0x2  }
0xb9: {  	s3 =	sand.u32 $0x4000, s31;
	s1 =	sadd.s32 s1, s30  }
0xba: {  	s0 =	sor.u32 s3, s0;
	s1 =	sshll.u32 s1, $0x11  }
0xbb: {  	s0 =	sor.u32 s1, s0  }
0xbc: {  	s0 =	sadd.s32 $0x8F2B, s0  }
0xbd: {  	[sflag:s0] =	ssyncadd.remote.s32 $0x1  }
0xbe: {  	_ =	sfence.sel $0xFFFF  }
0xbf: {  	[dreg:$0x0] =	wrdreg $0xFFFFFFFF;
	(pc) =	sbr.abs _section_cstart, $3  }
0xc0: {  	[dreg:$0x1] =	wrdreg $0xFFFFFFFF  }
0xc1: {  	_ =	task.clear_ibuf [dreg:s7], $0x2FFFF;
	_ =	strace $0x9FFFFFFF  }
0xc2: {  	(tm) =	ssettm $0x7FFFFFFF  }
0xc3: {  	_ =	shalt  }
tec
execute0_lowered:
.L_overlay_start_1:
0x0: {  	(tag) =	ssettag $0x1  }
0x1: {  	s0 =	rddreg [dreg:$0x0]  }
0x2: {  	s1 =	rddreg [dreg:$0x1];
	s2 =	simm.s32 $0x0  }
0x3: {  	s3 =	srdreg.scid;
	s4 =	stileid.u32;
	s9 =	simm.s32 $0x2  }
0x4: {  	s10 =	simm.s32 $0x80;
	s11 =	simm.s32 $0x600;
	s13 =	simm.s32 $0x800  }
0x5: {  	s15 =	simm.s32 $0xA00;
	s19 =	simm.s32 $0x480;
	s20 =	simm.s32 $0xA80  }
0x6: {  	s21 =	simm.s32 $0x100;
	s22 =	simm.s32 $0x700;
	s23 =	simm.s32 $0x300  }
0x7: {  	s24 =	simm.s32 $0x900;
	s25 =	simm.s32 $0x500;
	s28 =	simm.s32 $0x180  }
0x8: {  	s29 =	simm.s32 $0x780;
	s30 =	simm.s32 $0x380;
	s31 =	simm.s32 $0x980  }
0x9: {  	s12 =	simm.s32 $0x1;
	s14 =	simm.s32 $0x0;
	s3 =	sand.u32 $0x1, s3  }
0xa: {  	[smem:$0x7FF] =	sst s2;
	s4 =	sshll.u32 s4, $0x7;
	s5 =	sshll.u32 s3, $0x6  }
0xb: {  	_ =	strace $0x80000047;
	s6 =	ssub.s32 $0x2, s3;
	s4 =	sor.u32 s5, s4  }
0xc: {  	s3 =	sadd.s32 $0xE00, s1;
	s26 =	sshrl.u32 s6, $0x1;
	s1 =	sadd.s32 s4, s1  }
0xd: {  	s8 =	ssub.s32 s6, s26;
	s4 =	sadd.s32 s0, s4;
	s26 =	simm.s32 $0xB00  }
0xe: {  	s0 =	simm.s32 $0x580;
	s5 =	sadd.s32 $0xA200, s1;
	s6 =	sadd.s32 $0xAA00, s1  }
0xf: {  	s7 =	sadd.s32 $0xB200, s1;
	s8 =	smax.u32 s8, $0x1;
	s1 =	simm.s32 $0xB80  }
.LBB2_1:
0x10: {  	[tilespmem:s2], [sflag:$0x2] =	stream.linear.gather [hbm4b:s4+s2], $0x200, $0x38;
	[tilespmem:$0xC00] =	vst v63  }
0x11: {  	_ =	swait.ge [sflag:s9], $0x200  }
0x12: {  	[sflag:s9] =	ssyncset.done $0x0  }
0x13: {  	s16 =	simm.s32 $0x0;
	[sflag:s9] =	ssyncadd.s32 $0xFFFFFE00  }
0x14: {  	v0 =	vld [tilespmem:s16+$0x0]  }
0x15: {  	s17 =	simm.s32 $0x40  }
.LBB2_2:
0x16: {  	p0 =	sne.s32 s17, $0x7C0  }
.Ltmp0:
0x17: {  	_ = 	snop;
	(pc) =	sbr.rel @p0 .LBB2_2-.Ltmp0, $4  }
0x18: {  	_ = 	snop  }
0x19: {  	s18 =	sshra.s32 s17, $0x2;
	s17 =	sadd.s32 $0x40, s17;
	v1 =	vadd.s32 $0x186A0, v0;
	v2 =	vadd.s32 $0x30D40, v0  }
0x1a: {  	v0 =	vld [tilespmem:s18+$0x0];
	[tilespmem:s16+$0x400] =	vst v2  }
0x1b: {  	[tilespmem:s16+$0x200] =	vst v1;
	s16 =	smov.u32 s18  }
0x1c: {  	_ =	sdelay $0x2  }
0x1d: {  	v1 =	vadd.s32 $0x30D40, v0  }
0x1e: {  	v63 =	vadd.s32 $0x186A0, v0;
	[tilespmem:s16+$0x400] =	vst v1  }
0x1f: {  	[tilespmem:s16+$0x200] =	vst v63  }
0x20: {  	[tilespmem:s11], [sflag:$0x1] =	stream.indirect.gather [hbm4b:s3+s10], $0x1, s2, s10, $0xb8;
	[tilespmem:$0xC00] =	vst v63  }
0x21: {  	s17 =	simm.s32 $0x200  }
0x22: {  	[tilespmem:s13], [sflag:$0x1] =	stream.indirect.gather [hbm4b:s3+s10], $0x1, s17, s10, $0xb8;
	[tilespmem:$0xC00] =	vst v63  }
0x23: {  	s18 =	simm.s32 $0x400  }
0x24: {  	[tilespmem:s15], [sflag:$0x1] =	stream.indirect.gather [hbm4b:s3+s10], $0x1, s18, s10, $0xb8;
	[tilespmem:$0xC00] =	vst v63  }
0x25: {  	s17 =	simm.s32 $0x680  }
0x26: {  	[tilespmem:s17], [sflag:$0x1] =	stream.indirect.gather [hbm4b:s3+s10], $0x1, s10, s10, $0xb8;
	[tilespmem:$0xC00] =	vst v63  }
0x27: {  	s18 =	simm.s32 $0x280;
	s17 =	simm.s32 $0x880  }
0x28: {  	[tilespmem:s17], [sflag:$0x1] =	stream.indirect.gather [hbm4b:s3+s10], $0x1, s18, s10, $0xb8;
	[tilespmem:$0xC00] =	vst v63  }
0x29: {  	_ = 	snop  }
0x2a: {  	[tilespmem:s20], [sflag:$0x1] =	stream.indirect.gather [hbm4b:s3+s10], $0x1, s19, s10, $0xb8;
	[tilespmem:$0xC00] =	vst v63  }
0x2b: {  	_ = 	snop  }
0x2c: {  	[tilespmem:s22], [sflag:$0x1] =	stream.indirect.gather [hbm4b:s3+s10], $0x1, s21, s10, $0xb8;
	[tilespmem:$0xC00] =	vst v63  }
0x2d: {  	_ = 	snop  }
0x2e: {  	[tilespmem:s24], [sflag:$0x1] =	stream.indirect.gather [hbm4b:s3+s10], $0x1, s23, s10, $0xb8;
	[tilespmem:$0xC00] =	vst v63  }
0x2f: {  	_ = 	snop  }
0x30: {  	[tilespmem:s26], [sflag:$0x1] =	stream.indirect.gather [hbm4b:s3+s10], $0x1, s25, s10, $0xb8;
	[tilespmem:$0xC00] =	vst v63  }
0x31: {  	_ = 	snop  }
0x32: {  	[tilespmem:s29], [sflag:$0x1] =	stream.indirect.gather [hbm4b:s3+s10], $0x1, s28, s10, $0xb8;
	[tilespmem:$0xC00] =	vst v63  }
0x33: {  	_ = 	snop  }
0x34: {  	[tilespmem:s31], [sflag:$0x1] =	stream.indirect.gather [hbm4b:s3+s10], $0x1, s30, s10, $0xb8;
	[tilespmem:$0xC00] =	vst v63  }
0x35: {  	_ = 	snop  }
0x36: {  	[tilespmem:s1], [sflag:$0x1] =	stream.indirect.gather [hbm4b:s3+s10], $0x1, s0, s10, $0xb8;
	[tilespmem:$0xC00] =	vst v63  }
0x37: {  	_ =	swait.ge [sflag:s12], $0x80  }
0x38: {  	[sflag:s12] =	ssyncset.done $0x0  }
0x39: {  	[sflag:s12] =	ssyncadd.s32 $0xFFFFFF80  }
0x3a: {  	_ =	swait.ge [sflag:s12], $0x80  }
0x3b: {  	[sflag:s12] =	ssyncset.done $0x0  }
0x3c: {  	[sflag:s12] =	ssyncadd.s32 $0xFFFFFF80  }
0x3d: {  	_ =	swait.ge [sflag:s12], $0x80  }
0x3e: {  	[sflag:s12] =	ssyncset.done $0x0  }
0x3f: {  	[sflag:s12] =	ssyncadd.s32 $0xFFFFFF80  }
0x40: {  	_ =	swait.ge [sflag:s12], $0x80  }
0x41: {  	[sflag:s12] =	ssyncset.done $0x0  }
0x42: {  	[sflag:s12] =	ssyncadd.s32 $0xFFFFFF80  }
0x43: {  	_ =	swait.ge [sflag:s12], $0x80  }
0x44: {  	[sflag:s12] =	ssyncset.done $0x0  }
0x45: {  	[sflag:s12] =	ssyncadd.s32 $0xFFFFFF80  }
0x46: {  	_ =	swait.ge [sflag:s12], $0x80  }
0x47: {  	[sflag:s12] =	ssyncset.done $0x0  }
0x48: {  	[sflag:s12] =	ssyncadd.s32 $0xFFFFFF80  }
0x49: {  	_ =	swait.ge [sflag:s12], $0x80  }
0x4a: {  	[sflag:s12] =	ssyncset.done $0x0  }
0x4b: {  	[sflag:s12] =	ssyncadd.s32 $0xFFFFFF80  }
0x4c: {  	_ =	swait.ge [sflag:s12], $0x80  }
0x4d: {  	[sflag:s12] =	ssyncset.done $0x0  }
0x4e: {  	[sflag:s12] =	ssyncadd.s32 $0xFFFFFF80  }
0x4f: {  	_ =	swait.ge [sflag:s12], $0x80  }
0x50: {  	[sflag:s12] =	ssyncset.done $0x0  }
0x51: {  	[sflag:s12] =	ssyncadd.s32 $0xFFFFFF80  }
0x52: {  	_ =	swait.ge [sflag:s12], $0x80  }
0x53: {  	[sflag:s12] =	ssyncset.done $0x0  }
0x54: {  	[sflag:s12] =	ssyncadd.s32 $0xFFFFFF80  }
0x55: {  	_ =	swait.ge [sflag:s12], $0x80  }
0x56: {  	[sflag:s12] =	ssyncset.done $0x0  }
0x57: {  	[sflag:s12] =	ssyncadd.s32 $0xFFFFFF80  }
0x58: {  	_ =	swait.ge [sflag:s12], $0x80  }
0x59: {  	[sflag:s12] =	ssyncset.done $0x0  }
0x5a: {  	[sflag:s12] =	ssyncadd.s32 $0xFFFFFF80  }
0x5b: {  	[hbm4b:s5+s2] =	stream.linear.scatter [tilespmem:s11], [sflag:$0x2], $0x200, $0x38;
	[tilespmem:$0xC00] =	vst v63  }
0x5c: {  	_ =	swait.ge [sflag:s9], $0x200  }
0x5d: {  	[sflag:s9] =	ssyncset.done $0x0  }
0x5e: {  	[sflag:s9] =	ssyncadd.s32 $0xFFFFFE00  }
0x5f: {  	[hbm4b:s6+s2] =	stream.linear.scatter [tilespmem:s13], [sflag:$0x2], $0x200, $0x38;
	[tilespmem:$0xC00] =	vst v63  }
0x60: {  	s14 =	sadd.s32 $0x1, s14;
	_ =	swait.ge [sflag:s9], $0x200  }
0x61: {  	p0 =	sne.s32 s14, s8;
	[sflag:s9] =	ssyncset.done $0x0  }
.Ltmp1:
0x62: {  	[sflag:s9] =	ssyncadd.s32 $0xFFFFFE00;
	(pc) =	sbr.rel @p0 .LBB2_1-.Ltmp1, $4  }
0x63: {  	[hbm4b:s7+s2] =	stream.linear.scatter [tilespmem:s15], [sflag:$0x2], $0x200, $0x38;
	[tilespmem:$0xC00] =	vst v63  }
0x64: {  	_ =	swait.ge [sflag:s9], $0x200  }
0x65: {  	[sflag:s9] =	ssyncset.done $0x0  }
0x66: {  	[sflag:s9] =	ssyncadd.s32 $0xFFFFFE00  }
0x67: {  	_ =	sfence.sel $0x180000  }
0x68: {  	[bflag:$0x0] =	sbarrier.arrive $0xFFFF  }
0x69: {  	_ =	strace $0x90000047  }
0x6a: {  	s0 =	stileid.u32;
	[bflag:$0x2] =	sbarrier.arrive $0xFFFF  }
0x6b: {  	p0 =	sne.s32 s0, $0x0;
	s0 =	rddreg [dreg:$0x2]  }
0x6c: {  	s0 =	sadd.s32 @!p0 $0x100000, s0  }
0x6d: {  	[sflag:s0] =	ssyncadd.tile.s32 @!p0 $0x1;
	_ =	shalt  }
.Lfunc_end2:
_tile_overlayer_lowered:
.L_overlay_start_2:
0x6e: {  	(tag) =	ssettag $0x2  }
0x6f: {  	s0 =	rddreg [dreg:$0x0];
	s2 =	stileid.u32  }
0x70: {  	s1 =	rddreg [dreg:$0x1];
	p0 =	sne.s32 s2, $0x0  }
0x71: {  	s3 =	rddreg [dreg:$0x2];
	[bflag:$0x3] =	sbarrier.arrive $0xFFFF;
	s2 =	simm.s32 @!p0 $0x1C02  }
0x72: {  	[timem:s3], [sflag:s2] =	dma.local @!p0 [hbm:s0], s1  }
0x73: {  	s0 =	simm.s32 @!p0 $0x2  }
0x74: {  	_ =	swait.ge @!p0 [sflag:s0], s1  }
0x75: {  	s1 =	ssub.s32 @!p0 $0x0, s1;
	[sflag:s0] =	ssyncset.done @!p0 $0x0  }
0x76: {  	[sflag:s0] =	ssyncadd.s32 @!p0 s1  }
0x77: {  	[bflag:$0x3] =	sbarrier.arrive $0xFFFF  }
0x78: {  	_ =	shalt  }

// kernel: kernel.7.cloned.1.call-start
scs
__scs_entry_jumppad:
0x0: {  	(pc) =	sbr.rel $0x88, $3  }
0x1: {  	(tag) =	ssettag $0x0;
	lr =	simm.s32 $0x1  }
0x2: {  	[smem:$0x3F9C] =	sst lr;
	_ =	strace $0xD0000000  }
0x3: {  	_ = 	snop  }
0x4: {  	_ = 	snop  }
0x5: {  	_ = 	snop  }
0x6: {  	_ = 	snop  }
0x7: {  	_ = 	snop  }
__scs_overlays_trampoline_lowered:
0x8: {  	[smem:$0x3FAB] =	sst s0  }
0x9: {  	[smem:$0x3FAC] =	sst s1  }
0xa: {  	[smem:$0x3FAD] =	sst s2  }
0xb: {  	[smem:$0x3FAE] =	sst s3  }
0xc: {  	[smem:$0x3FAF] =	sst s4  }
0xd: {  	[smem:$0x3FB0] =	sst s5  }
0xe: {  	[smem:$0x3FB1] =	sst s6  }
0xf: {  	[smem:$0x3FB2] =	sst s7  }
0x10: {  	[smem:$0x3FB3] =	sst s8  }
0x11: {  	[smem:$0x3FB4] =	sst s9;
	s0 =	simm.s32 @!p0 $0x0  }
0x12: {  	s1 =	sld [smem:$0x3F9A];
	s0 =	simm.s32 @p0 $0x1  }
0x13: {  	[smem:$0x3FB5] =	sst s0;
	s0 =	simm.s32 @!p1 $0x0  }
0x14: {  	s2 =	sld [smem:$0x3F99];
	s0 =	simm.s32 @p1 $0x1  }
0x15: {  	[smem:$0x3FB6] =	sst s0;
	s0 =	simm.s32 @!p2 $0x0  }
0x16: {  	s3 =	sld [smem:$0x3FDB];
	s0 =	simm.s32 @p2 $0x1  }
0x17: {  	s4 =	simm.s32 $0x1BF5;
	[smem:$0x3FB8] =	sst s0  }
0x18: {  	s0 =	sld [smem:$0x3F9B];
	_ =	swait.ge [sflag:s4], $0x0  }
0x19: {  	s7 =	sld [smem:$0x3F9C]  }
0x1a: {  	s8 =	sadd.s32 $0xFFFFE003, lr  }
0x1b: {  	s9 =	sadd.s32 $0xFFFFFEF7, lr;
	s5 =	simm.s32 $0xFFFFFFFF;
	p2 =	slt.u32 s8, $0xFFFFF086  }
0x1c: {  	p1 =	slt.u32 s9, $0xF7A;
	s5 =	simm.s32 @!p2 $0x0  }
0x1d: {  	s5 =	simm.s32 @p1 $0x1;
	p0 =	seq.s32 s7, s2  }
0x1e: {  	s7 =	smul.u32 @!p0 $0xF7A, s2;
	p2 =	seq.s32 @!p0 s5, $0x0  }
0x1f: {  	s9 =	smul.u32 $0xF7A, s1;
	s8 =	simm.s32 @!p0 $0x1BF5;
	p2 =	por !p2, p0  }
0x20: {  	[sflag:s8] =	ssyncset.s32 @!p0 $0xFFFFF086;
	s6 =	sadd.s32 @!p0 s3, s7;
	s7 =	simm.s32 @!p0 $0x108  }
0x21: {  	s3 =	sadd.s32 s3, s9;
	s6 =	sadd.s32 @!p0 $0x88, s6;
	s7 =	simm.s32 @p2 $0x1082  }
0x22: {  	[simem:s7], [sflag:s8] =	dma.local @!p0 [hbm:s6], $0xF7A  }
0x23: {  	s9 =	sor.u32 $0xD0000000, s2;
	s6 =	simm.s32 $0x108;
	_ =	swait.ge @!p0 [sflag:s8], $0x0  }
0x24: {  	s3 =	sadd.s32 $0x88, s3;
	s6 =	simm.s32 @!p1 $0x1082;
	[sflag:s4] =	ssyncset.s32 $0xFFFFF086  }
0x25: {  	[simem:s6], [sflag:s4] =	dma.local [hbm:s3], $0xF7A  }
0x26: {  	[smem:$0x3F9C] =	sst s1;
	(tag) =	ssettag s2;
	_ =	strace s9  }
0x27: {  	s1 =	sld [smem:$0x3FAC]  }
0x28: {  	s2 =	sld [smem:$0x3FAD]  }
0x29: {  	s4 =	sld [smem:$0x3FAF]  }
0x2a: {  	p0 =	seq.s32 s5, $0x0;
	s5 =	sld [smem:$0x3FB0]  }
0x2b: {  	s6 =	sld [smem:$0x3FB1]  }
0x2c: {  	s7 =	sld [smem:$0x3FB2]  }
0x2d: {  	s3 =	simm.s32 $0x108;
	s8 =	sld [smem:$0x3FB3]  }
0x2e: {  	s3 =	simm.s32 @!p0 $0x1082;
	s9 =	sld [smem:$0x3FB4]  }
0x2f: {  	lr =	sadd.s32 s0, s3;
	s0 =	sld [smem:$0x3FAB]  }
0x30: {  	s3 =	sld [smem:$0x3FAE]  }
0x31: {  	[smem:$0x3FB7] =	sst s10  }
0x32: {  	s10 =	sld [smem:$0x3FB5];
	_ =	sdelay $0x3  }
0x33: {  	p0 =	seq.s32 s10, $0x1;
	s10 =	sld [smem:$0x3FB7];
	_ =	sdelay $0x3  }
0x34: {  	[smem:$0x3FB7] =	sst s10  }
0x35: {  	s10 =	sld [smem:$0x3FB6];
	_ =	sdelay $0x3  }
0x36: {  	p1 =	seq.s32 s10, $0x1;
	s10 =	sld [smem:$0x3FB7];
	_ =	sdelay $0x3  }
0x37: {  	[smem:$0x3FB7] =	sst s10  }
0x38: {  	s10 =	sld [smem:$0x3FB8]  }
0x39: {  	_ = 	snop;
	(pc) =	sbr.ind lr, $3  }
0x3a: {  	_ = 	snop  }
0x3b: {  	_ = 	snop  }
0x3c: {  	p2 =	seq.s32 s10, $0x1;
	s10 =	sld [smem:$0x3FB7]  }
0x3d: {  	_ =	shalt  }
0x3e: {  	_ =	shalt  }
0x3f: {  	_ =	shalt  }
0x40: {  	_ =	shalt  }
0x41: {  	_ =	shalt  }
0x42: {  	_ =	shalt  }
0x43: {  	_ =	shalt  }
0x44: {  	_ =	shalt  }
0x45: {  	_ =	shalt  }
0x46: {  	_ =	shalt  }
0x47: {  	_ =	shalt  }
0x48: {  	_ =	shalt  }
0x49: {  	_ =	shalt  }
0x4a: {  	_ =	shalt  }
0x4b: {  	_ =	shalt  }
0x4c: {  	_ =	shalt  }
0x4d: {  	_ =	shalt  }
0x4e: {  	_ =	shalt  }
0x4f: {  	_ =	shalt  }
0x50: {  	_ =	shalt  }
0x51: {  	_ =	shalt  }
0x52: {  	_ =	shalt  }
0x53: {  	_ =	shalt  }
0x54: {  	_ =	shalt  }
0x55: {  	_ =	shalt  }
0x56: {  	_ =	shalt  }
0x57: {  	_ =	shalt  }
0x58: {  	_ =	shalt  }
0x59: {  	_ =	shalt  }
0x5a: {  	_ =	shalt  }
0x5b: {  	_ =	shalt  }
0x5c: {  	_ =	shalt  }
0x5d: {  	_ =	shalt  }
0x5e: {  	_ =	shalt  }
0x5f: {  	_ =	shalt  }
0x60: {  	_ =	shalt  }
0x61: {  	_ =	shalt  }
0x62: {  	_ =	shalt  }
0x63: {  	_ =	shalt  }
0x64: {  	_ =	shalt  }
0x65: {  	_ =	shalt  }
0x66: {  	_ =	shalt  }
0x67: {  	_ =	shalt  }
0x68: {  	_ =	shalt  }
0x69: {  	_ =	shalt  }
0x6a: {  	_ =	shalt  }
0x6b: {  	_ =	shalt  }
0x6c: {  	_ =	shalt  }
0x6d: {  	_ =	shalt  }
0x6e: {  	_ =	shalt  }
0x6f: {  	_ =	shalt  }
0x70: {  	_ =	shalt  }
0x71: {  	_ =	shalt  }
0x72: {  	_ =	shalt  }
0x73: {  	_ =	shalt  }
0x74: {  	_ =	shalt  }
0x75: {  	_ =	shalt  }
0x76: {  	_ =	shalt  }
0x77: {  	_ =	shalt  }
0x78: {  	_ =	shalt  }
0x79: {  	_ =	shalt  }
0x7a: {  	_ =	shalt  }
0x7b: {  	_ =	shalt  }
0x7c: {  	_ =	shalt  }
0x7d: {  	_ =	shalt  }
0x7e: {  	_ =	shalt  }
0x7f: {  	_ =	shalt  }
0x80: {  	_ =	shalt  }
0x81: {  	_ =	shalt  }
0x82: {  	_ =	shalt  }
0x83: {  	_ =	shalt  }
0x84: {  	_ =	shalt  }
0x85: {  	_ =	shalt  }
0x86: {  	_ =	shalt  }
0x87: {  	_ =	shalt  }
.Lfunc_end0:
.L_simem_size_0:
called_computation.1_lowered:
.L_overlay_start_0:
0x88: {  	s2 =	sld [smem:$0x3FD9]  }
0x89: {  	s3 =	sld [smem:$0x3FFE];
	_ =	sdelay $0x1  }
0x8a: {  	s1 =	srdreg.scid  }
0x8b: {  	s0 =	sand.u32 $0x1, s1  }
0x8c: {  	s17 =	sshll.u32 s0, $0xA;
	s2 =	sadd.s32 s3, s2  }
0x8d: {  	s2 =	sadd.s32 s2, s17  }
0x8e: {  	[smem:$0x3FC3] =	sst s2  }
0x8f: {  	_ = 	snop  }
0x90: {  	s2 =	sld [smem:$0x3FC9]  }
0x91: {  	s18 =	sld [smem:$0x3FD0];
	(tm) =	ssettm $0x1  }
0x92: {  	s4 =	sld [smem:$0x3FFB];
	_ =	sdelay $0x3  }
0x93: {  	_ =	strace s4  }
0x94: {  	s4 =	sld [smem:$0x3FFC];
	_ =	sdelay $0x3  }
0x95: {  	_ =	strace s4  }
0x96: {  	s4 =	sld [smem:$0x3FFD];
	_ =	sdelay $0x3  }
0x97: {  	_ =	strace s4  }
0x98: {  	_ =	strace $0x8FFFFFFF  }
0x99: {  	s19 =	sld [smem:$0x3FDB];
	_ =	sdelay $0x1  }
0x9a: {  	s5 =	simm.s32 $_scs_section_size  }
0x9b: {  	s6 =	simm.s32 $_size__tile_overlayer_lowered;
	s7 =	simm.s32 $_tile_overlayer_lowered  }
0x9c: {  	s22 =	simm.s32 $0x1BFF;
	s21 =	sshll.u32 s7, $0x1;
	s4 =	sadd.s32 s5, s19  }
0x9d: {  	s8 =	simm.s32 $0x0;
	s20 =	sshll.u32 s6, $0x1;
	s6 =	sadd.s32 s21, s4  }
0x9e: {  	[timem:s8], [sflag:s22] =	dma.local [hbm:s6], s20  }
0x9f: {  	_ =	swait.ge [sflag:s22], s20  }
0xa0: {  	s5 =	ssub.s32 $0x0, s20;
	[sflag:s22] =	ssyncset.done $0x0  }
0xa1: {  	[sflag:s22] =	ssyncadd.s32 s5;
	_ =	sdelay $0x1  }
0xa2: {  	s23 =	simm.s32 $0x1B8B  }
0xa3: {  	_ =	swait.ge [sflag:s23], $0x1  }
0xa4: {  	[sflag:s23] =	ssyncset.done $0x0  }
0xa5: {  	s25 =	simm.s32 $0x1B8E;
	s24 =	sld [smem:$0x3FFE];
	[sflag:s23] =	ssyncadd.s32 $0xFFFFFFFF  }
0xa6: {  	s26 =	simm.s32 $execute0_lowered;
	[smem:$0x3FD2] =	sst s25  }
0xa7: {  	s6 =	sshll.u32 s26, $0x1;
	_ =	strace $0x80000049;
	[dreg:$0x1] =	wrdreg $0xFFFFFFFF  }
0xa8: {  	s28 =	simm.s32 $_size_execute0_lowered;
	s4 =	sadd.s32 s4, s6;
	[dreg:$0x0] =	wrdreg $0x0  }
0xa9: {  	s6 =	sshll.u32 s28, $0x1;
	[dreg:$0x2] =	wrdreg s4  }
0xaa: {  	[dreg:$0x3] =	wrdreg s6  }
0xab: {  	[dreg:$0x4] =	wrdreg $0xC0  }
0xac: {  	_ =	task [dreg:s8], $0x5FFFF  }
0xad: {  	[dreg:$0x1] =	wrdreg $0xFFFFFFFF  }
0xae: {  	[dreg:$0x0] =	wrdreg $0x60  }
0xaf: {  	[dreg:$0x2] =	wrdreg s2  }
0xb0: {  	[dreg:$0x3] =	wrdreg s24  }
0xb1: {  	[dreg:$0x4] =	wrdreg s18  }
0xb2: {  	[dreg:$0x5] =	wrdreg $0x9  }
0xb3: {  	_ =	task.clear_ibuf [dreg:s8], $0x6FFFF;
	_ =	strace $0x90000049  }
0xb4: {  	s29 =	simm.s32 $0x9;
	_ =	strace $0x8000004B  }
0xb5: {  	_ =	swait.ge [sflag:s29], $0x1  }
0xb6: {  	[sflag:s29] =	ssyncadd.s32 $0xFFFFFFFF  }
0xb7: {  	_ =	strace $0x9000004B  }
0xb8: {  	_ =	sfence  }
0xb9: {  	s30 =	sld [smem:$0x0];
	_ =	sdelay $0x2  }
0xba: {  	s31 =	sshll.u32 s1, $0xD;
	s1 =	sshrl.u32 s1, $0x2  }
0xbb: {  	s3 =	sand.u32 $0x4000, s31;
	s1 =	sadd.s32 s1, s30  }
0xbc: {  	s0 =	sor.u32 s3, s0;
	s1 =	sshll.u32 s1, $0x11  }
0xbd: {  	s0 =	sor.u32 s1, s0  }
0xbe: {  	s0 =	sadd.s32 $0x8F2B, s0  }
0xbf: {  	[sflag:s0] =	ssyncadd.remote.s32 $0x1  }
0xc0: {  	_ =	sfence.sel $0xFFFF  }
0xc1: {  	[dreg:$0x0] =	wrdreg $0xFFFFFFFF;
	(pc) =	sbr.abs _section_cstart, $3  }
0xc2: {  	[dreg:$0x1] =	wrdreg $0xFFFFFFFF  }
0xc3: {  	_ =	task.clear_ibuf [dreg:s8], $0x2FFFF;
	_ =	strace $0x9FFFFFFF  }
0xc4: {  	(tm) =	ssettm $0x7FFFFFFF  }
0xc5: {  	_ =	shalt  }
tec
execute0_lowered:
.L_overlay_start_1:
0x0: {  	(tag) =	ssettag $0x1  }
0x1: {  	s0 =	rddreg [dreg:$0x0]  }
0x2: {  	s1 =	rddreg [dreg:$0x1]  }
0x3: {  	s8 =	rddreg [dreg:$0x2];
	s2 =	simm.s32 $0x0  }
0x4: {  	s3 =	srdreg.scid;
	s4 =	stileid.u32;
	s14 =	simm.s32 $0x80  }
0x5: {  	s20 =	simm.s32 $0x680;
	s21 =	simm.s32 $0x100;
	s22 =	simm.s32 $0x500  }
0x6: {  	s23 =	simm.s32 $0x300;
	s24 =	simm.s32 $0x700;
	s25 =	simm.s32 $0x180  }
0x7: {  	s28 =	simm.s32 $0x380;
	s29 =	simm.s32 $0x780;
	s30 =	simm.s32 $0x1  }
0x8: {  	s31 =	simm.s32 $0xE00;
	[smem:$0x7FF] =	sst s2;
	s3 =	sand.u32 $0x1, s3  }
0x9: {  	s4 =	sshll.u32 s4, $0x7;
	s5 =	sshll.u32 s3, $0x6;
	s6 =	ssub.s32 $0x2, s3  }
0xa: {  	_ =	strace $0x8000004A;
	s9 =	sor.u32 s5, s4;
	s26 =	sshrl.u32 s6, $0x1  }
0xb: {  	s3 =	sadd.s32 $0xBA00, s1;
	s1 =	sadd.s32 s9, s1;
	s10 =	ssub.s32 s6, s26  }
0xc: {  	s4 =	sadd.s32 s0, s9;
	s8 =	sadd.s32 s8, s9;
	s26 =	simm.s32 $0x580  }
0xd: {  	s0 =	simm.s32 $0x0;
	s5 =	sadd.s32 $0xA200, s1;
	s6 =	sadd.s32 $0xAA00, s1  }
0xe: {  	s7 =	sadd.s32 $0xB200, s1;
	s9 =	smax.u32 s10, $0x1;
	s10 =	simm.s32 $0x2  }
.LBB2_1:
0xf: {  	[tilespmem:s2], [sflag:$0x2] =	stream.linear.gather [hbm4b:s4+s2], $0x200, $0x38;
	[tilespmem:$0x1000] =	vst v63  }
0x10: {  	_ =	swait.ge [sflag:s10], $0x200  }
0x11: {  	[sflag:s10] =	ssyncset.done $0x0  }
0x12: {  	s1 =	simm.s32 $0x800;
	[sflag:s10] =	ssyncadd.s32 $0xFFFFFE00  }
0x13: {  	[tilespmem:s1], [sflag:$0x2] =	stream.linear.gather [hbm4b:s5+s2], $0x200, $0x38;
	[tilespmem:$0x1000] =	vst v63  }
0x14: {  	_ =	swait.ge [sflag:s10], $0x200  }
0x15: {  	[sflag:s10] =	ssyncset.done $0x0  }
0x16: {  	s18 =	simm.s32 $0xA00;
	[sflag:s10] =	ssyncadd.s32 $0xFFFFFE00  }
0x17: {  	[tilespmem:s18], [sflag:$0x2] =	stream.linear.gather [hbm4b:s6+s2], $0x200, $0x38;
	[tilespmem:$0x1000] =	vst v63  }
0x18: {  	_ =	swait.ge [sflag:s10], $0x200  }
0x19: {  	[sflag:s10] =	ssyncset.done $0x0  }
0x1a: {  	s19 =	simm.s32 $0xC00;
	[sflag:s10] =	ssyncadd.s32 $0xFFFFFE00  }
0x1b: {  	[tilespmem:s19], [sflag:$0x2] =	stream.linear.gather [hbm4b:s7+s2], $0x200, $0x38;
	[tilespmem:$0x1000] =	vst v63  }
0x1c: {  	_ =	swait.ge [sflag:s10], $0x200  }
0x1d: {  	[sflag:s10] =	ssyncset.done $0x0  }
0x1e: {  	s1 =	simm.s32 $0x0;
	[sflag:s10] =	ssyncadd.s32 $0xFFFFFE00  }
0x1f: {  	s11 =	simm.s32 $0x40;
	v0 =	vld [tilespmem:s1+$0x0]  }
.LBB2_2:
0x20: {  	p0 =	sne.s32 s11, $0x7C0  }
.Ltmp0:
0x21: {  	_ = 	snop;
	(pc) =	sbr.rel @p0 .LBB2_2-.Ltmp0, $3  }
0x22: {  	_ =	sdelay $0x1  }
0x23: {  	s12 =	sshra.s32 s11, $0x2;
	s11 =	sadd.s32 $0x40, s11;
	v1 =	vadd.s32 $0xF4240, v0  }
0x24: {  	v0 =	vld [tilespmem:s12+$0x0];
	[tilespmem:s1+$0x200] =	vst v1;
	s1 =	smov.u32 s12  }
0x25: {  	_ =	sdelay $0x3  }
0x26: {  	v0 =	vadd.s32 $0xF4240, v0  }
0x27: {  	s15 =	simm.s32 $0x0;
	s11 =	simm.s32 $0x400;
	[tilespmem:s1+$0x200] =	vst v0  }
0x28: {  	[tilespmem:s11], [sflag:$0x1] =	stream.indirect.gather [hbm4b:s3+s14], $0x1, s15, s14, $0xb8;
	[tilespmem:$0x1000] =	vst v63  }
0x29: {  	s16 =	simm.s32 $0x200;
	s17 =	simm.s32 $0x600  }
0x2a: {  	[tilespmem:s17], [sflag:$0x1] =	stream.indirect.gather [hbm4b:s3+s14], $0x1, s16, s14, $0xb8;
	[tilespmem:$0x1000] =	vst v63  }
0x2b: {  	s18 =	simm.s32 $0x480  }
0x2c: {  	[tilespmem:s18], [sflag:$0x1] =	stream.indirect.gather [hbm4b:s3+s14], $0x1, s14, s14, $0xb8;
	[tilespmem:$0x1000] =	vst v63  }
0x2d: {  	s19 =	simm.s32 $0x280  }
0x2e: {  	[tilespmem:s20], [sflag:$0x1] =	stream.indirect.gather [hbm4b:s3+s14], $0x1, s19, s14, $0xb8;
	[tilespmem:$0x1000] =	vst v63  }
0x2f: {  	_ = 	snop  }
0x30: {  	[tilespmem:s22], [sflag:$0x1] =	stream.indirect.gather [hbm4b:s3+s14], $0x1, s21, s14, $0xb8;
	[tilespmem:$0x1000] =	vst v63  }
0x31: {  	_ = 	snop  }
0x32: {  	[tilespmem:s24], [sflag:$0x1] =	stream.indirect.gather [hbm4b:s3+s14], $0x1, s23, s14, $0xb8;
	[tilespmem:$0x1000] =	vst v63  }
0x33: {  	_ = 	snop  }
0x34: {  	[tilespmem:s26], [sflag:$0x1] =	stream.indirect.gather [hbm4b:s3+s14], $0x1, s25, s14, $0xb8;
	[tilespmem:$0x1000] =	vst v63  }
0x35: {  	_ = 	snop  }
0x36: {  	[tilespmem:s29], [sflag:$0x1] =	stream.indirect.gather [hbm4b:s3+s14], $0x1, s28, s14, $0xb8;
	[tilespmem:$0x1000] =	vst v63  }
0x37: {  	_ =	swait.ge [sflag:s30], $0x80  }
0x38: {  	[sflag:s30] =	ssyncset.done $0x0  }
0x39: {  	[sflag:s30] =	ssyncadd.s32 $0xFFFFFF80  }
0x3a: {  	_ =	swait.ge [sflag:s30], $0x80  }
0x3b: {  	[sflag:s30] =	ssyncset.done $0x0  }
0x3c: {  	[sflag:s30] =	ssyncadd.s32 $0xFFFFFF80  }
0x3d: {  	_ =	swait.ge [sflag:s30], $0x80  }
0x3e: {  	[sflag:s30] =	ssyncset.done $0x0  }
0x3f: {  	[sflag:s30] =	ssyncadd.s32 $0xFFFFFF80  }
0x40: {  	_ =	swait.ge [sflag:s30], $0x80  }
0x41: {  	[sflag:s30] =	ssyncset.done $0x0  }
0x42: {  	[sflag:s30] =	ssyncadd.s32 $0xFFFFFF80  }
0x43: {  	_ =	swait.ge [sflag:s30], $0x80  }
0x44: {  	[sflag:s30] =	ssyncset.done $0x0  }
0x45: {  	[sflag:s30] =	ssyncadd.s32 $0xFFFFFF80  }
0x46: {  	_ =	swait.ge [sflag:s30], $0x80  }
0x47: {  	[sflag:s30] =	ssyncset.done $0x0  }
0x48: {  	[sflag:s30] =	ssyncadd.s32 $0xFFFFFF80  }
0x49: {  	_ =	swait.ge [sflag:s30], $0x80  }
0x4a: {  	[sflag:s30] =	ssyncset.done $0x0  }
0x4b: {  	[sflag:s30] =	ssyncadd.s32 $0xFFFFFF80  }
0x4c: {  	_ =	swait.ge [sflag:s30], $0x80  }
0x4d: {  	[sflag:s30] =	ssyncset.done $0x0  }
0x4e: {  	s1 =	simm.s32 $0x0;
	[sflag:s30] =	ssyncadd.s32 $0xFFFFFF80  }
0x4f: {  	v0 =	vld [tilespmem:s1+$0x400]  }
0x50: {  	v1 =	vld [tilespmem:s1+$0xC00]  }
0x51: {  	v2 =	vld [tilespmem:s1+$0x600]  }
0x52: {  	v3 =	vld [tilespmem:s1+$0x800]  }
0x53: {  	s11 =	simm.s32 $0x10;
	v4 =	vld [tilespmem:s1+$0xA00]  }
0x54: {  	v5 =	vld [tilespmem:s11+$0x400]  }
0x55: {  	v6 =	vld [tilespmem:s11+$0xC00]  }
0x56: {  	v7 =	vld [tilespmem:s11+$0x600]  }
0x57: {  	v8 =	vld [tilespmem:s11+$0x800];
	v0 =	vsub.f32 v0, v1;
	v1 =	vsub.f32 v2, v1  }
0x58: {  	v2 =	vld [tilespmem:s11+$0xA00]  }
0x59: {  	v0 =	vmul.f32 v0, v3;
	v1 =	vmul.f32 v1, v4  }
0x5a: {  	s12 =	simm.s32 $0x20;
	v4 =	vsub.f32 v5, v6  }
0x5b: {  	v3 =	vld [tilespmem:s12+$0x400];
	v5 =	vsub.f32 v7, v6;
	v0 =	vadd.f32 v1, v0  }
0x5c: {  	v6 =	vld [tilespmem:s12+$0x600]  }
0x5d: {  	v1 =	vld [tilespmem:s12+$0xC00];
	v4 =	vmul.f32 v4, v8;
	v2 =	vmul.f32 v5, v2;
	v0 =	vsub.f32 $0.0e+00, v0  }
0x5e: {  	v7 =	vld [tilespmem:s12+$0xA00]  }
0x5f: {  	s13 =	simm.s32 $0x30;
	v5 =	vld [tilespmem:s12+$0x800];
	v2 =	vadd.f32 v2, v4;
	v0 =	vmul.f32 $1.442695020e+00, v0  }
0x60: {  	v8 =	vld [tilespmem:s13+$0xC00]  }
0x61: {  	v4 =	vld [tilespmem:s13+$0x400];
	v2 =	vsub.f32 $0.0e+00, v2;
	(erf) = vpow2.f32 v0  }
0x62: {  	v0 =	vsub.f32 v3, v1;
	v1 =	vsub.f32 v6, v1;
	v3 =	vld [tilespmem:s13+$0x600]  }
0x63: {  	v6 =	vld [tilespmem:s13+$0x800];
	v2 =	vmul.f32 $1.442695020e+00, v2  }
0x64: {  	v0 =	vmul.f32 v0, v5;
	v1 =	vmul.f32 v1, v7;
	v5 =	vld [tilespmem:s13+$0xA00];
	_ =	sdelay $0x1  }
0x65: {  	s15 =	simm.s32 $0x40;
	(erf) = vpow2.f32 v2;
	v0 =	vadd.f32 v1, v0  }
0x66: {  	v2 =	vsub.f32 v4, v8;
	v4 =	vld [tilespmem:s15+$0xC00];
	v3 =	vsub.f32 v3, v8  }
0x67: {  	v1 =	vld [tilespmem:s15+$0x400];
	v0 =	vsub.f32 $0.0e+00, v0  }
0x68: {  	v7 =	vld [tilespmem:s15+$0x600];
	v2 =	vmul.f32 v2, v6;
	v3 =	vmul.f32 v3, v5  }
0x69: {  	v6 =	vld [tilespmem:s15+$0x800];
	v9 =	vmul.f32 $1.442695020e+00, v0;
	v5 =	vpop (erf)  }
0x6a: {  	s16 =	simm.s32 $0x50;
	v8 =	vld [tilespmem:s15+$0xA00];
	v2 =	vadd.f32 v3, v2;
	v3 =	vadd.f32 $1.000000000e+00, v5  }
0x6b: {  	v0 =	vld [tilespmem:s16+$0x400];
	(erf) = vpow2.f32 v9  }
0x6c: {  	v5 =	vsub.f32 v1, v4;
	v1 =	vld [tilespmem:s16+$0xC00];
	(erf) = vrcp.f32 v3  }
0x6d: {  	v4 =	vsub.f32 v7, v4;
	v7 =	vsub.f32 $0.0e+00, v2;
	v2 =	vld [tilespmem:s16+$0x600]  }
0x6e: {  	v5 =	vmul.f32 v5, v6;
	v6 =	vpop (erf);
	v3 =	vld [tilespmem:s16+$0x800]  }
0x6f: {  	s17 =	simm.s32 $0x180;
	v8 =	vmul.f32 v4, v8;
	v4 =	vld [tilespmem:s16+$0xA00];
	v7 =	vmul.f32 $1.442695020e+00, v7;
	v6 =	vadd.f32 $1.000000000e+00, v6  }
.LBB2_4:
0x70: {  	s18 =	sshra.s32 s17, $0x2  }
0x71: {  	v5 =	vadd.f32 v8, v5;
	(erf) = vpow2.f32 v7;
	s19 =	smov.u32 s13;
	s13 =	smov.u32 s15;
	p0 =	sne.s32 s17, $0x7C0  }
.Ltmp1:
0x72: {  	s15 =	smov.u32 s16;
	v7 =	vsub.f32 v0, v1;
	v0 =	vld [tilespmem:s18+$0x400];
	(erf) = vrcp.f32 v6;
	s16 =	smov.u32 s18;
	(pc) =	sbr.rel @p0 .LBB2_4-.Ltmp1, $4  }
0x73: {  	v6 =	vsub.f32 v2, v1;
	v1 =	vld [tilespmem:s16+$0xC00];
	v11 =	vsub.f32 $0.0e+00, v5  }
0x74: {  	s17 =	sadd.s32 $0x40, s17;
	v2 =	vld [tilespmem:s16+$0x600];
	v5 =	vmul.f32 v7, v3;
	v10 =	vpop (erf)  }
0x75: {  	v3 =	vld [tilespmem:s16+$0x800];
	v8 =	vmul.f32 v6, v4;
	v7 =	vmul.f32 $1.442695020e+00, v11;
	v9 =	vpop (erf)  }
0x76: {  	v6 =	vadd.f32 $1.000000000e+00, v10;
	v4 =	vld [tilespmem:s16+$0xA00];
	[tilespmem:s1+$0xE00] =	vst v9;
	s1 =	smov.u32 s11;
	s11 =	smov.u32 s12;
	s12 =	smov.u32 s19  }
0x77: {  	_ =	sdelay $0x1  }
0x78: {  	v0 =	vsub.f32 v0, v1;
	v51 =	vsub.f32 v2, v1;
	_ =	sdelay $0x1  }
0x79: {  	v52 =	vadd.f32 v8, v5;
	v0 =	vmul.f32 v0, v3;
	v1 =	vmul.f32 v51, v4;
	_ =	sdelay $0x1  }
0x7a: {  	v2 =	vsub.f32 $0.0e+00, v52;
	v0 =	vadd.f32 v1, v0;
	_ =	sdelay $0x1  }
0x7b: {  	(erf) = vpow2.f32 v7;
	v53 =	vpop (erf);
	v2 =	vmul.f32 $1.442695020e+00, v2;
	v0 =	vsub.f32 $0.0e+00, v0  }
0x7c: {  	(erf) = vrcp.f32 v6;
	v1 =	vadd.f32 $1.000000000e+00, v53  }
0x7d: {  	(erf) = vpow2.f32 v2;
	v0 =	vmul.f32 $1.442695020e+00, v0  }
0x7e: {  	(erf) = vrcp.f32 v1  }
0x7f: {  	(erf) = vpow2.f32 v0;
	_ =	sdelay $0x3  }
0x80: {  	v54 =	vpop (erf)  }
0x81: {  	v55 =	vpop (erf)  }
0x82: {  	v56 =	vpop (erf)  }
0x83: {  	v57 =	vpop (erf)  }
0x84: {  	v1 =	vadd.f32 $1.000000000e+00, v55;
	v58 =	vpop (erf)  }
0x85: {  	v3 =	vadd.f32 $1.000000000e+00, v57;
	v59 =	vpop (erf)  }
0x86: {  	(erf) = vrcp.f32 v1;
	v60 =	vadd.f32 $1.000000000e+00, v59  }
0x87: {  	(erf) = vrcp.f32 v3  }
0x88: {  	(erf) = vrcp.f32 v60;
	_ =	sdelay $0x4  }
0x89: {  	[tilespmem:s1+$0xE00] =	vst v54  }
0x8a: {  	[tilespmem:s11+$0xE00] =	vst v56  }
0x8b: {  	[tilespmem:s12+$0xE00] =	vst v58;
	v61 =	vpop (erf)  }
0x8c: {  	s0 =	sadd.s32 $0x1, s0;
	[tilespmem:s13+$0xE00] =	vst v61;
	v62 =	vpop (erf)  }
0x8d: {  	p0 =	sne.s32 s0, s9;
	[tilespmem:s15+$0xE00] =	vst v62;
	v63 =	vpop (erf)  }
.Ltmp2:
0x8e: {  	[tilespmem:s16+$0xE00] =	vst v63;
	(pc) =	sbr.rel @p0 .LBB2_1-.Ltmp2, $4  }
0x8f: {  	[hbm4b:s8+s2] =	stream.linear.scatter [tilespmem:s31], [sflag:$0x2], $0x200, $0x38;
	[tilespmem:$0x1000] =	vst v63  }
0x90: {  	_ =	swait.ge [sflag:s10], $0x200  }
0x91: {  	[sflag:s10] =	ssyncset.done $0x0  }
0x92: {  	[sflag:s10] =	ssyncadd.s32 $0xFFFFFE00  }
0x93: {  	_ =	sfence.sel $0x180000  }
0x94: {  	[bflag:$0x0] =	sbarrier.arrive $0xFFFF  }
0x95: {  	_ =	strace $0x9000004A  }
0x96: {  	s0 =	stileid.u32;
	[bflag:$0x2] =	sbarrier.arrive $0xFFFF  }
0x97: {  	p0 =	sne.s32 s0, $0x0;
	s0 =	rddreg [dreg:$0x3]  }
0x98: {  	s0 =	sadd.s32 @!p0 $0x100000, s0  }
0x99: {  	[sflag:s0] =	ssyncadd.tile.s32 @!p0 $0x1;
	_ =	shalt  }
.Lfunc_end2:
_tile_overlayer_lowered:
.L_overlay_start_2:
0x9a: {  	(tag) =	ssettag $0x2  }
0x9b: {  	s0 =	rddreg [dreg:$0x0];
	s2 =	stileid.u32  }
0x9c: {  	s1 =	rddreg [dreg:$0x1];
	p0 =	sne.s32 s2, $0x0  }
0x9d: {  	s3 =	rddreg [dreg:$0x2];
	[bflag:$0x3] =	sbarrier.arrive $0xFFFF;
	s2 =	simm.s32 @!p0 $0x1C02  }
0x9e: {  	[timem:s3], [sflag:s2] =	dma.local @!p0 [hbm:s0], s1  }
0x9f: {  	s0 =	simm.s32 @!p0 $0x2  }
0xa0: {  	_ =	swait.ge @!p0 [sflag:s0], s1  }
0xa1: {  	s1 =	ssub.s32 @!p0 $0x0, s1;
	[sflag:s0] =	ssyncset.done @!p0 $0x0  }
0xa2: {  	[sflag:s0] =	ssyncadd.s32 @!p0 s1  }
0xa3: {  	[bflag:$0x3] =	sbarrier.arrive $0xFFFF  }
0xa4: {  	_ =	shalt  }

</sc_bundles>
